<compile_context>
chip_gen: v7x
topology: tpu7x:2x2x1
jax: 0.10.2.dev20260603
libtpu: 0.0.44.dev20260713+nightly
codegen_flags: <defaults>
</compile_context>

<pallas_src>
import functools

import jax
import jax.numpy as jnp
from jax import lax
from jax.experimental import pallas as pl
from jax.experimental.pallas import tpu as pltpu
from jax.experimental.pallas import tpu_sc as plsc

N = 10000
E = 320000
D = 128
C = 16
NC = 2
NS = 16
TILES = NC * NS
EPT = E // TILES
CHUNK = 80
NCHUNK = EPT // CHUNK
NP = 10240
RPT = NP // NS
DEGW = 16
ZROWS = 128

_sc_mesh = plsc.VectorSubcoreMesh(core_axis_name="c", subcore_axis_name="s")


@functools.partial(
    pl.kernel,
    mesh=_sc_mesh,
    compiler_params=pltpu.CompilerParams(use_tc_tiling_on_sc=False),
    out_type=(
        jax.ShapeDtypeStruct((NP, D), jnp.float32),
        jax.ShapeDtypeStruct((NP, D), jnp.float32),
        jax.ShapeDtypeStruct((NP, DEGW), jnp.float32),
        jax.ShapeDtypeStruct((NP, DEGW), jnp.float32),
    ),
    scratch_types=[
        pltpu.VMEM((NCHUNK, CHUNK), jnp.int32),
        pltpu.VMEM((2, CHUNK), jnp.int32),
        pltpu.VMEM((2, CHUNK), jnp.int32),
        pltpu.VMEM((CHUNK, D), jnp.float32),
        pltpu.VMEM((CHUNK, D), jnp.float32),
        pltpu.VMEM((CHUNK, DEGW), jnp.float32),
        pltpu.VMEM((CHUNK, DEGW), jnp.float32),
        pltpu.VMEM_SHARED((NP, D), jnp.float32),
        pltpu.VMEM_SHARED((NP, DEGW), jnp.float32),
        pltpu.SemaphoreType.DMA,
        pltpu.SemaphoreType.DMA,
    ],
)
def _sc_aggregate(pk_hbm, feat_hbm, agg0_out, agg1_out, deg0_out, deg1_out,
                  pk_v, src_r, dst_r, rows_a, rows_b, ones_v, zdeg_v,
                  acc_sh, deg_sh, sem_a, sem_b):
    cid = lax.axis_index("c")
    sid = lax.axis_index("s")
    tid = cid * NS + sid

    zeros16 = jnp.zeros((16,), jnp.float32)
    ones16 = jnp.ones((16,), jnp.float32)

    pltpu.async_copy(pk_hbm.at[tid], pk_v, sem_a)

    def init_small(i, carry):
        ones_v[i] = ones16
        zdeg_v[i] = zeros16
        return carry
    lax.fori_loop(0, CHUNK, init_small, 0)

    def init_zf(i, carry):
        for c in range(D // 16):
            rows_a[i, pl.ds(c * 16, 16)] = zeros16
        return carry
    lax.fori_loop(0, CHUNK, init_zf, 0)

    zbase = pl.multiple_of(sid * RPT, 8)
    for k in range(RPT // CHUNK):
        pltpu.async_copy(rows_a, acc_sh.at[pl.ds(zbase + k * CHUNK, CHUNK)], sem_b)
    for k in range(RPT // CHUNK):
        pltpu.async_copy(zdeg_v, deg_sh.at[pl.ds(zbase + k * CHUNK, CHUNK)], sem_b)
    pltpu.make_async_copy(pk_hbm.at[tid], pk_v, sem_a).wait()
    for k in range(RPT // CHUNK):
        pltpu.make_async_copy(rows_a, acc_sh.at[pl.ds(zbase + k * CHUNK, CHUNK)], sem_b).wait()
    for k in range(RPT // CHUNK):
        pltpu.make_async_copy(zdeg_v, deg_sh.at[pl.ds(zbase + k * CHUNK, CHUNK)], sem_b).wait()

    def unpack(j, s):
        for g in range(CHUNK // 16):
            w = pk_v[j, pl.ds(g * 16, 16)]
            src_r[s, pl.ds(g * 16, 16)] = w & 0xFFFF
            dst_r[s, pl.ds(g * 16, 16)] = lax.shift_right_logical(w, 16)

    unpack(0, 0)
    unpack(1, 1)
    pltpu.async_copy(feat_hbm.at[src_r.at[0]], rows_a, sem_a)
    pltpu.async_copy(feat_hbm.at[src_r.at[1]], rows_b, sem_b)
    plsc.subcore_barrier()

    def process(j, s, buf, sem):
        pltpu.make_async_copy(feat_hbm.at[src_r.at[s]], buf, sem).wait()
        pltpu.sync_copy(buf, acc_sh.at[dst_r.at[s]], add=True)
        pltpu.sync_copy(ones_v, deg_sh.at[dst_r.at[s]], add=True)

        @pl.when(j + 2 < NCHUNK)
        def _():
            unpack(j + 2, s)
            pltpu.async_copy(feat_hbm.at[src_r.at[s]], buf, sem)

    def body(i, carry):
        j = 2 * i
        process(j, 0, rows_a, sem_a)
        process(j + 1, 1, rows_b, sem_b)
        return carry
    lax.fori_loop(0, (NCHUNK - 1) // 2, body, 0)

    pltpu.make_async_copy(feat_hbm.at[src_r.at[0]], rows_a, sem_a).wait()
    pltpu.sync_copy(rows_a, acc_sh.at[dst_r.at[0]], add=True)
    pltpu.sync_copy(ones_v, deg_sh.at[dst_r.at[0]], add=True)

    plsc.subcore_barrier()

    @pl.when(cid == 0)
    def _():
        pltpu.async_copy(acc_sh.at[pl.ds(zbase, RPT)], agg0_out.at[pl.ds(zbase, RPT)], sem_a)
        pltpu.async_copy(deg_sh.at[pl.ds(zbase, RPT)], deg0_out.at[pl.ds(zbase, RPT)], sem_b)
        pltpu.make_async_copy(acc_sh.at[pl.ds(zbase, RPT)], agg0_out.at[pl.ds(zbase, RPT)], sem_a).wait()
        pltpu.make_async_copy(deg_sh.at[pl.ds(zbase, RPT)], deg0_out.at[pl.ds(zbase, RPT)], sem_b).wait()

    @pl.when(cid == 1)
    def _():
        pltpu.async_copy(acc_sh.at[pl.ds(zbase, RPT)], agg1_out.at[pl.ds(zbase, RPT)], sem_a)
        pltpu.async_copy(deg_sh.at[pl.ds(zbase, RPT)], deg1_out.at[pl.ds(zbase, RPT)], sem_b)
        pltpu.make_async_copy(acc_sh.at[pl.ds(zbase, RPT)], agg1_out.at[pl.ds(zbase, RPT)], sem_a).wait()
        pltpu.make_async_copy(deg_sh.at[pl.ds(zbase, RPT)], deg1_out.at[pl.ds(zbase, RPT)], sem_b).wait()


def _pack_body(s_ref, d_ref, o_ref):
    o_ref[...] = jnp.bitwise_or(jnp.left_shift(d_ref[0], 16), s_ref[0])


def _pack_edges(adj):
    rows = E // 128
    adj3 = adj.reshape(2, rows, 128)
    out = pl.pallas_call(
        _pack_body,
        grid=(1,),
        in_specs=[
            pl.BlockSpec((1, rows, 128), lambda i: (0, 0, 0)),
            pl.BlockSpec((1, rows, 128), lambda i: (1, 0, 0)),
        ],
        out_specs=pl.BlockSpec((rows, 128), lambda i: (0, 0)),
        out_shape=jax.ShapeDtypeStruct((rows, 128), jnp.int32),
    )(adj3, adj3)
    return out.reshape(TILES, NCHUNK, CHUNK)


def _tc_body(f_ref, a0_ref, a1_ref, d0_hbm, d1_hbm, w1_ref, w2_ref, wc_ref,
             out_hbm, d0_v, d1_v, o_v, sem):
    pltpu.async_copy(d0_hbm, d0_v, sem).wait()
    pltpu.async_copy(d1_hbm, d1_v, sem).wait()
    f = f_ref[...]
    a = a0_ref[...][:N] + a1_ref[...][:N]
    d = d0_v[...][:N, 0:1] + d1_v[...][:N, 0:1]
    mean = a / jnp.maximum(d, 1.0)
    h = jnp.dot(f, w1_ref[...], preferred_element_type=jnp.float32)
    h += jnp.dot(mean, w2_ref[...], preferred_element_type=jnp.float32)
    h = jnp.maximum(h, 0.0)
    s = jnp.dot(h, wc_ref[...], preferred_element_type=jnp.float32)
    m = jnp.max(s, axis=1, keepdims=True)
    lse = jnp.log(jnp.sum(jnp.exp(s - m), axis=1, keepdims=True))
    o_v[...] = s - m - lse
    pltpu.async_copy(o_v, out_hbm, sem).wait()


def _tc_head(features, agg0, agg1, deg0, deg1, w1, w2, wc):
    return pl.pallas_call(
        _tc_body,
        in_specs=[
            pl.BlockSpec((N, D), lambda: (0, 0)),
            pl.BlockSpec((NP, D), lambda: (0, 0)),
            pl.BlockSpec((NP, D), lambda: (0, 0)),
            pl.BlockSpec(memory_space=pltpu.MemorySpace.HBM),
            pl.BlockSpec(memory_space=pltpu.MemorySpace.HBM),
            pl.BlockSpec((D, D), lambda: (0, 0)),
            pl.BlockSpec((D, D), lambda: (0, 0)),
            pl.BlockSpec((D, C), lambda: (0, 0)),
        ],
        out_specs=pl.BlockSpec(memory_space=pltpu.MemorySpace.HBM),
        out_shape=jax.ShapeDtypeStruct((N, C), jnp.float32),
        scratch_shapes=[
            pltpu.VMEM((NP, DEGW), jnp.float32),
            pltpu.VMEM((NP, DEGW), jnp.float32),
            pltpu.VMEM((N, C), jnp.float32),
            pltpu.SemaphoreType.DMA,
        ],
    )(features, agg0, agg1, deg0, deg1, w1, w2, wc)


def kernel(features, adj, W_enc, weight):
    adj = adj.astype(jnp.int32)
    packed = _pack_edges(adj)
    agg0, agg1, deg0, deg1 = _sc_aggregate(packed, features)
    return _tc_head(features, agg0, agg1, deg0, deg1, W_enc[:D], W_enc[D:], weight)

# --- scband reference (transcript-rebuilt; emitter-appended) ---
"""Pipeline reference for scband-supervised-graph-sage-5557687681680 (READ-ONLY COPY).

The authoritative reference and input builder live on the scoring server;
editing this copy changes nothing except your own understanding.
"""

import jax, jax.numpy as jnp
import numpy as np

N_NODES = 10000
N_EDGES = 320000
D_FEAT = 128
EMBED_DIM = 128
NUM_CLASSES = 16


def setup_inputs(seed: int = 0) -> dict:
    key = jax.random.key(seed)
    k1, k2, k3, k4 = jax.random.split(key, 4)
    features = jax.random.normal(k1, (N_NODES, D_FEAT), dtype=jnp.float32)
    adj = jax.random.randint(k2, (2, N_EDGES), 0, N_NODES, dtype=jnp.int64)
    # GraphSAGE mean-aggregator encoder weight: maps concat(self, neigh_mean) -> embed_dim
    limit_enc = float(np.sqrt(6.0 / (2 * D_FEAT + EMBED_DIM)))
    W_enc = jax.random.uniform(k3, (2 * D_FEAT, EMBED_DIM), dtype=jnp.float32, minval=-limit_enc, maxval=limit_enc)
    # classifier weight (xavier_uniform over [embed_dim, num_classes])
    limit_w = float(np.sqrt(6.0 / (EMBED_DIM + NUM_CLASSES)))
    weight = jax.random.uniform(k4, (EMBED_DIM, NUM_CLASSES), dtype=jnp.float32, minval=-limit_w, maxval=limit_w)
    return {"features": features, "adj": adj, "W_enc": W_enc, "weight": weight}


def reference(features, adj, W_enc, weight):
    src = adj[0]
    dst = adj[1]
    # gather source-node features along edges, scatter-add (segment_sum) into dst nodes
    gathered = jnp.take(features, src, axis=0)              # [E, d_feat]
    agg_sum = jax.ops.segment_sum(gathered, dst, num_segments=N_NODES)  # [N, d_feat]
    deg = jax.ops.segment_sum(jnp.ones((N_EDGES,), dtype=jnp.float32), dst, num_segments=N_NODES)
    agg_mean = agg_sum / jnp.maximum(deg, 1.0)[:, None]
    # enc: concat(self, neighbor-mean) -> linear -> relu  =>  embeds [N, embed_dim]
    combined = jnp.concatenate([features, agg_mean], axis=1)  # [N, 2*d_feat]
    embeds = jax.nn.relu(combined @ W_enc)                    # [N, embed_dim]
    # SupervisedGraphSage.forward: scores = embeds.mm(weight); log_softmax over classes
    scores = embeds @ weight                                  # [N, num_classes]
    return jax.nn.log_softmax(scores, axis=1)

if __name__ == "__main__":
    import jax
    _d = setup_inputs()
    print(jax.jit(kernel)(*tuple(_d.values())))

</pallas_src>

<mosaic_0001>
#map = affine_map<(d0, d1) -> (0, 0, 0)>
#map1 = affine_map<(d0, d1) -> (0, 0)>
module attributes {stable_mosaic.version = 14 : i64} {
  func.func @_sc_aggregate(%arg0: i32, %arg1: i32, %arg2: memref<32x125x80xi32, #tpu.memory_space<hbm>>, %arg3: memref<10000x128xf32, #tpu.memory_space<hbm>>, %arg4: memref<10240x128xf32, #tpu.memory_space<hbm>>, %arg5: memref<10240x128xf32, #tpu.memory_space<hbm>>, %arg6: memref<10240x16xf32, #tpu.memory_space<hbm>>, %arg7: memref<10240x16xf32, #tpu.memory_space<hbm>>, %arg8: memref<125x80xi32, #tpu.memory_space<vmem>>, %arg9: memref<2x80xi32, #tpu.memory_space<vmem>>, %arg10: memref<2x80xi32, #tpu.memory_space<vmem>>, %arg11: memref<80x128xf32, #tpu.memory_space<vmem>>, %arg12: memref<80x128xf32, #tpu.memory_space<vmem>>, %arg13: memref<80x16xf32, #tpu.memory_space<vmem>>, %arg14: memref<80x16xf32, #tpu.memory_space<vmem>>, %arg15: memref<10240x128xf32, #tpu.memory_space<vmem_shared>>, %arg16: memref<10240x16xf32, #tpu.memory_space<vmem_shared>>, %arg17: memref<!tpu.dma_semaphore, #tpu.memory_space<semaphore_mem>>, %arg18: memref<!tpu.dma_semaphore, #tpu.memory_space<semaphore_mem>>) attributes {dimension_semantics = [#tpu.dimension_semantics<core_parallel>, #tpu.dimension_semantics<subcore_parallel>], iteration_bounds = array<i64: 2, 16>, scalar_prefetch = 0 : i64, scratch_operands = 11 : i64, tpu.core_type = #tpu.core_type<sc_vector_subcore>, window_params = [{transform_indices = #map}, {transform_indices = #map1}, {transform_indices = #map1}, {transform_indices = #map1}, {transform_indices = #map1}, {transform_indices = #map1}]} {
    %mul3A = arith.constant 16 : i32
    %mul3A_0 = arith.muli %arg0, %mul3A : i32
    %add3A = arith.addi %mul3A_0, %arg1 : i32
    %broadcast_in_dim3A = arith.constant 0.000000e+00 : f32
    %broadcast_in_dim3A_1 = vector.broadcast %broadcast_in_dim3A : f32 to vector<16xf32>
    %broadcast_in_dim3A_2 = arith.constant 1.000000e+00 : f32
    %broadcast_in_dim3A_3 = vector.broadcast %broadcast_in_dim3A_2 : f32 to vector<16xf32>
    %dma_start3A = arith.constant 0 : i32
    %dma_start3A_4 = arith.constant 0 : i32
    %dma_start3A_5 = tpu.memref_slice %arg2[%add3A, %dma_start3A, %dma_start3A_4] : memref<32x125x80xi32, #tpu.memory_space<hbm>> -> memref<1x125x80xi32, #tpu.memory_space<hbm>>
    %dma_start3A_6 = tpu.memref_squeeze %dma_start3A_5 : memref<1x125x80xi32, #tpu.memory_space<hbm>> -> memref<125x80xi32, #tpu.memory_space<hbm>>
    %dma_start3A_7 = arith.constant 0 : i32
    %dma_start3A_8 = arith.constant 0 : i32
    %dma_start3A_9 = tpu.memref_slice %arg2[%add3A, %dma_start3A_7, %dma_start3A_8] : memref<32x125x80xi32, #tpu.memory_space<hbm>> -> memref<1x125x80xi32, #tpu.memory_space<hbm>>
    %dma_start3A_10 = tpu.memref_squeeze %dma_start3A_9 : memref<1x125x80xi32, #tpu.memory_space<hbm>> -> memref<125x80xi32, #tpu.memory_space<hbm>>
    tpu.enqueue_dma source(%dma_start3A_10 : memref<125x80xi32, #tpu.memory_space<hbm>>) target(%arg8 : memref<125x80xi32, #tpu.memory_space<vmem>>) target_semaphore(%arg17 : memref<!tpu.dma_semaphore, #tpu.memory_space<semaphore_mem>>)
    %scan3A = arith.constant 0 : i32
    %scan3A_11 = arith.constant 0 : i32
    %scan3A_12 = arith.constant 80 : i32
    %scan3A_13 = arith.addi %scan3A_11, %scan3A_12 : i32
    %scan3A_14 = arith.constant 1 : i32
    scf.for %scan3A_485 = %scan3A_11 to %scan3A_13 step %scan3A_14  : i32 {
      %swap3A_486 = arith.index_cast %scan3A_485 : i32 to index
      %swap3A_487 = arith.constant 0 : index
      %swap3A_488 = tpu.vector_load %arg13[%swap3A_486, %swap3A_487] {strides = array<i32>} : memref<80x16xf32, #tpu.memory_space<vmem>>, vector<1x16xf32>,
      %swap3A_489 = vector.shape_cast %swap3A_488 : vector<1x16xf32> to vector<16xf32>
      %swap3A_490 = vector.shape_cast %broadcast_in_dim3A_3 : vector<16xf32> to vector<1x16xf32>
      tpu.vector_store %arg13[%swap3A_486, %swap3A_487], %swap3A_490 {strides = array<i32>} : memref<80x16xf32, #tpu.memory_space<vmem>>, vector<1x16xf32>,
      %swap3A_491 = arith.index_cast %scan3A_485 : i32 to index
      %swap3A_492 = arith.constant 0 : index
      %swap3A_493 = tpu.vector_load %arg14[%swap3A_491, %swap3A_492] {strides = array<i32>} : memref<80x16xf32, #tpu.memory_space<vmem>>, vector<1x16xf32>,
      %swap3A_494 = vector.shape_cast %swap3A_493 : vector<1x16xf32> to vector<16xf32>
      %swap3A_495 = vector.shape_cast %broadcast_in_dim3A_1 : vector<16xf32> to vector<1x16xf32>
      tpu.vector_store %arg14[%swap3A_491, %swap3A_492], %swap3A_495 {strides = array<i32>} : memref<80x16xf32, #tpu.memory_space<vmem>>, vector<1x16xf32>,
    }
    %scan3A_15 = arith.constant 80 : i32
    %scan3A_16 = arith.constant 0 : i32
    %scan3A_17 = arith.constant 0 : i32
    %scan3A_18 = arith.constant 80 : i32
    %scan3A_19 = arith.addi %scan3A_17, %scan3A_18 : i32
    %scan3A_20 = arith.constant 1 : i32
    scf.for %scan3A_485 = %scan3A_17 to %scan3A_19 step %scan3A_20  : i32 {
      %swap3A_486 = arith.index_cast %scan3A_485 : i32 to index
      %swap3A_487 = arith.constant 0 : index
      %swap3A_488 = tpu.vector_load %arg11[%swap3A_486, %swap3A_487] {strides = array<i32>} : memref<80x128xf32, #tpu.memory_space<vmem>>, vector<1x16xf32>,
      %swap3A_489 = vector.shape_cast %swap3A_488 : vector<1x16xf32> to vector<16xf32>
      %swap3A_490 = vector.shape_cast %broadcast_in_dim3A_1 : vector<16xf32> to vector<1x16xf32>
      tpu.vector_store %arg11[%swap3A_486, %swap3A_487], %swap3A_490 {strides = array<i32>} : memref<80x128xf32, #tpu.memory_space<vmem>>, vector<1x16xf32>,
      %swap3A_491 = arith.index_cast %scan3A_485 : i32 to index
      %swap3A_492 = arith.constant 16 : index
      %swap3A_493 = tpu.vector_load %arg11[%swap3A_491, %swap3A_492] {strides = array<i32>} : memref<80x128xf32, #tpu.memory_space<vmem>>, vector<1x16xf32>,
      %swap3A_494 = vector.shape_cast %swap3A_493 : vector<1x16xf32> to vector<16xf32>
      %swap3A_495 = vector.shape_cast %broadcast_in_dim3A_1 : vector<16xf32> to vector<1x16xf32>
      tpu.vector_store %arg11[%swap3A_491, %swap3A_492], %swap3A_495 {strides = array<i32>} : memref<80x128xf32, #tpu.memory_space<vmem>>, vector<1x16xf32>,
      %swap3A_496 = arith.index_cast %scan3A_485 : i32 to index
      %swap3A_497 = arith.constant 32 : index
      %swap3A_498 = tpu.vector_load %arg11[%swap3A_496, %swap3A_497] {strides = array<i32>} : memref<80x128xf32, #tpu.memory_space<vmem>>, vector<1x16xf32>,
      %swap3A_499 = vector.shape_cast %swap3A_498 : vector<1x16xf32> to vector<16xf32>
      %swap3A_500 = vector.shape_cast %broadcast_in_dim3A_1 : vector<16xf32> to vector<1x16xf32>
      tpu.vector_store %arg11[%swap3A_496, %swap3A_497], %swap3A_500 {strides = array<i32>} : memref<80x128xf32, #tpu.memory_space<vmem>>, vector<1x16xf32>,
      %swap3A_501 = arith.index_cast %scan3A_485 : i32 to index
      %swap3A_502 = arith.constant 48 : index
      %swap3A_503 = tpu.vector_load %arg11[%swap3A_501, %swap3A_502] {strides = array<i32>} : memref<80x128xf32, #tpu.memory_space<vmem>>, vector<1x16xf32>,
      %swap3A_504 = vector.shape_cast %swap3A_503 : vector<1x16xf32> to vector<16xf32>
      %swap3A_505 = vector.shape_cast %broadcast_in_dim3A_1 : vector<16xf32> to vector<1x16xf32>
      tpu.vector_store %arg11[%swap3A_501, %swap3A_502], %swap3A_505 {strides = array<i32>} : memref<80x128xf32, #tpu.memory_space<vmem>>, vector<1x16xf32>,
      %swap3A_506 = arith.index_cast %scan3A_485 : i32 to index
      %swap3A_507 = arith.constant 64 : index
      %swap3A_508 = tpu.vector_load %arg11[%swap3A_506, %swap3A_507] {strides = array<i32>} : memref<80x128xf32, #tpu.memory_space<vmem>>, vector<1x16xf32>,
      %swap3A_509 = vector.shape_cast %swap3A_508 : vector<1x16xf32> to vector<16xf32>
      %swap3A_510 = vector.shape_cast %broadcast_in_dim3A_1 : vector<16xf32> to vector<1x16xf32>
      tpu.vector_store %arg11[%swap3A_506, %swap3A_507], %swap3A_510 {strides = array<i32>} : memref<80x128xf32, #tpu.memory_space<vmem>>, vector<1x16xf32>,
      %swap3A_511 = arith.index_cast %scan3A_485 : i32 to index
      %swap3A_512 = arith.constant 80 : index
      %swap3A_513 = tpu.vector_load %arg11[%swap3A_511, %swap3A_512] {strides = array<i32>} : memref<80x128xf32, #tpu.memory_space<vmem>>, vector<1x16xf32>,
      %swap3A_514 = vector.shape_cast %swap3A_513 : vector<1x16xf32> to vector<16xf32>
      %swap3A_515 = vector.shape_cast %broadcast_in_dim3A_1 : vector<16xf32> to vector<1x16xf32>
      tpu.vector_store %arg11[%swap3A_511, %swap3A_512], %swap3A_515 {strides = array<i32>} : memref<80x128xf32, #tpu.memory_space<vmem>>, vector<1x16xf32>,
      %swap3A_516 = arith.index_cast %scan3A_485 : i32 to index
      %swap3A_517 = arith.constant 96 : index
      %swap3A_518 = tpu.vector_load %arg11[%swap3A_516, %swap3A_517] {strides = array<i32>} : memref<80x128xf32, #tpu.memory_space<vmem>>, vector<1x16xf32>,
      %swap3A_519 = vector.shape_cast %swap3A_518 : vector<1x16xf32> to vector<16xf32>
      %swap3A_520 = vector.shape_cast %broadcast_in_dim3A_1 : vector<16xf32> to vector<1x16xf32>
      tpu.vector_store %arg11[%swap3A_516, %swap3A_517], %swap3A_520 {strides = array<i32>} : memref<80x128xf32, #tpu.memory_space<vmem>>, vector<1x16xf32>,
      %swap3A_521 = arith.index_cast %scan3A_485 : i32 to index
      %swap3A_522 = arith.constant 112 : index
      %swap3A_523 = tpu.vector_load %arg11[%swap3A_521, %swap3A_522] {strides = array<i32>} : memref<80x128xf32, #tpu.memory_space<vmem>>, vector<1x16xf32>,
      %swap3A_524 = vector.shape_cast %swap3A_523 : vector<1x16xf32> to vector<16xf32>
      %swap3A_525 = vector.shape_cast %broadcast_in_dim3A_1 : vector<16xf32> to vector<1x16xf32>
      tpu.vector_store %arg11[%swap3A_521, %swap3A_522], %swap3A_525 {strides = array<i32>} : memref<80x128xf32, #tpu.memory_space<vmem>>, vector<1x16xf32>,
    }
    %scan3A_21 = arith.constant 80 : i32
    %mul3A_22 = arith.constant 640 : i32
    %mul3A_23 = arith.muli %arg1, %mul3A_22 : i32
    %multiple_of3A = tpu.assume_multiple %mul3A_23, 8 : i32
    %add3A_24 = arith.constant 0 : i32
    %add3A_25 = arith.addi %multiple_of3A, %add3A_24 : i32
    %dma_start3A_26 = arith.constant 0 : i32
    %dma_start3A_27 = tpu.memref_slice %arg15[%add3A_25, %dma_start3A_26] : memref<10240x128xf32, #tpu.memory_space<vmem_shared>> -> memref<80x128xf32, #tpu.memory_space<vmem_shared>>
    %dma_start3A_28 = arith.constant 0 : i32
    %dma_start3A_29 = tpu.memref_slice %arg15[%add3A_25, %dma_start3A_28] : memref<10240x128xf32, #tpu.memory_space<vmem_shared>> -> memref<80x128xf32, #tpu.memory_space<vmem_shared>>
    tpu.enqueue_dma source(%arg11 : memref<80x128xf32, #tpu.memory_space<vmem>>) target(%dma_start3A_29 : memref<80x128xf32, #tpu.memory_space<vmem_shared>>) target_semaphore(%arg18 : memref<!tpu.dma_semaphore, #tpu.memory_space<semaphore_mem>>)
    %add3A_30 = arith.constant 80 : i32
    %add3A_31 = arith.addi %multiple_of3A, %add3A_30 : i32
    %dma_start3A_32 = arith.constant 0 : i32
    %dma_start3A_33 = tpu.memref_slice %arg15[%add3A_31, %dma_start3A_32] : memref<10240x128xf32, #tpu.memory_space<vmem_shared>> -> memref<80x128xf32, #tpu.memory_space<vmem_shared>>
    %dma_start3A_34 = arith.constant 0 : i32
    %dma_start3A_35 = tpu.memref_slice %arg15[%add3A_31, %dma_start3A_34] : memref<10240x128xf32, #tpu.memory_space<vmem_shared>> -> memref<80x128xf32, #tpu.memory_space<vmem_shared>>
    tpu.enqueue_dma source(%arg11 : memref<80x128xf32, #tpu.memory_space<vmem>>) target(%dma_start3A_35 : memref<80x128xf32, #tpu.memory_space<vmem_shared>>) target_semaphore(%arg18 : memref<!tpu.dma_semaphore, #tpu.memory_space<semaphore_mem>>)
    %add3A_36 = arith.constant 160 : i32
    %add3A_37 = arith.addi %multiple_of3A, %add3A_36 : i32
    %dma_start3A_38 = arith.constant 0 : i32
    %dma_start3A_39 = tpu.memref_slice %arg15[%add3A_37, %dma_start3A_38] : memref<10240x128xf32, #tpu.memory_space<vmem_shared>> -> memref<80x128xf32, #tpu.memory_space<vmem_shared>>
    %dma_start3A_40 = arith.constant 0 : i32
    %dma_start3A_41 = tpu.memref_slice %arg15[%add3A_37, %dma_start3A_40] : memref<10240x128xf32, #tpu.memory_space<vmem_shared>> -> memref<80x128xf32, #tpu.memory_space<vmem_shared>>
    tpu.enqueue_dma source(%arg11 : memref<80x128xf32, #tpu.memory_space<vmem>>) target(%dma_start3A_41 : memref<80x128xf32, #tpu.memory_space<vmem_shared>>) target_semaphore(%arg18 : memref<!tpu.dma_semaphore, #tpu.memory_space<semaphore_mem>>)
    %add3A_42 = arith.constant 240 : i32
    %add3A_43 = arith.addi %multiple_of3A, %add3A_42 : i32
    %dma_start3A_44 = arith.constant 0 : i32
    %dma_start3A_45 = tpu.memref_slice %arg15[%add3A_43, %dma_start3A_44] : memref<10240x128xf32, #tpu.memory_space<vmem_shared>> -> memref<80x128xf32, #tpu.memory_space<vmem_shared>>
    %dma_start3A_46 = arith.constant 0 : i32
    %dma_start3A_47 = tpu.memref_slice %arg15[%add3A_43, %dma_start3A_46] : memref<10240x128xf32, #tpu.memory_space<vmem_shared>> -> memref<80x128xf32, #tpu.memory_space<vmem_shared>>
    tpu.enqueue_dma source(%arg11 : memref<80x128xf32, #tpu.memory_space<vmem>>) target(%dma_start3A_47 : memref<80x128xf32, #tpu.memory_space<vmem_shared>>) target_semaphore(%arg18 : memref<!tpu.dma_semaphore, #tpu.memory_space<semaphore_mem>>)
    %add3A_48 = arith.constant 320 : i32
    %add3A_49 = arith.addi %multiple_of3A, %add3A_48 : i32
    %dma_start3A_50 = arith.constant 0 : i32
    %dma_start3A_51 = tpu.memref_slice %arg15[%add3A_49, %dma_start3A_50] : memref<10240x128xf32, #tpu.memory_space<vmem_shared>> -> memref<80x128xf32, #tpu.memory_space<vmem_shared>>
    %dma_start3A_52 = arith.constant 0 : i32
    %dma_start3A_53 = tpu.memref_slice %arg15[%add3A_49, %dma_start3A_52] : memref<10240x128xf32, #tpu.memory_space<vmem_shared>> -> memref<80x128xf32, #tpu.memory_space<vmem_shared>>
    tpu.enqueue_dma source(%arg11 : memref<80x128xf32, #tpu.memory_space<vmem>>) target(%dma_start3A_53 : memref<80x128xf32, #tpu.memory_space<vmem_shared>>) target_semaphore(%arg18 : memref<!tpu.dma_semaphore, #tpu.memory_space<semaphore_mem>>)
    %add3A_54 = arith.constant 400 : i32
    %add3A_55 = arith.addi %multiple_of3A, %add3A_54 : i32
    %dma_start3A_56 = arith.constant 0 : i32
    %dma_start3A_57 = tpu.memref_slice %arg15[%add3A_55, %dma_start3A_56] : memref<10240x128xf32, #tpu.memory_space<vmem_shared>> -> memref<80x128xf32, #tpu.memory_space<vmem_shared>>
    %dma_start3A_58 = arith.constant 0 : i32
    %dma_start3A_59 = tpu.memref_slice %arg15[%add3A_55, %dma_start3A_58] : memref<10240x128xf32, #tpu.memory_space<vmem_shared>> -> memref<80x128xf32, #tpu.memory_space<vmem_shared>>
    tpu.enqueue_dma source(%arg11 : memref<80x128xf32, #tpu.memory_space<vmem>>) target(%dma_start3A_59 : memref<80x128xf32, #tpu.memory_space<vmem_shared>>) target_semaphore(%arg18 : memref<!tpu.dma_semaphore, #tpu.memory_space<semaphore_mem>>)
    %add3A_60 = arith.constant 480 : i32
    %add3A_61 = arith.addi %multiple_of3A, %add3A_60 : i32
    %dma_start3A_62 = arith.constant 0 : i32
    %dma_start3A_63 = tpu.memref_slice %arg15[%add3A_61, %dma_start3A_62] : memref<10240x128xf32, #tpu.memory_space<vmem_shared>> -> memref<80x128xf32, #tpu.memory_space<vmem_shared>>
    %dma_start3A_64 = arith.constant 0 : i32
    %dma_start3A_65 = tpu.memref_slice %arg15[%add3A_61, %dma_start3A_64] : memref<10240x128xf32, #tpu.memory_space<vmem_shared>> -> memref<80x128xf32, #tpu.memory_space<vmem_shared>>
    tpu.enqueue_dma source(%arg11 : memref<80x128xf32, #tpu.memory_space<vmem>>) target(%dma_start3A_65 : memref<80x128xf32, #tpu.memory_space<vmem_shared>>) target_semaphore(%arg18 : memref<!tpu.dma_semaphore, #tpu.memory_space<semaphore_mem>>)
    %add3A_66 = arith.constant 560 : i32
    %add3A_67 = arith.addi %multiple_of3A, %add3A_66 : i32
    %dma_start3A_68 = arith.constant 0 : i32
    %dma_start3A_69 = tpu.memref_slice %arg15[%add3A_67, %dma_start3A_68] : memref<10240x128xf32, #tpu.memory_space<vmem_shared>> -> memref<80x128xf32, #tpu.memory_space<vmem_shared>>
    %dma_start3A_70 = arith.constant 0 : i32
    %dma_start3A_71 = tpu.memref_slice %arg15[%add3A_67, %dma_start3A_70] : memref<10240x128xf32, #tpu.memory_space<vmem_shared>> -> memref<80x128xf32, #tpu.memory_space<vmem_shared>>
    tpu.enqueue_dma source(%arg11 : memref<80x128xf32, #tpu.memory_space<vmem>>) target(%dma_start3A_71 : memref<80x128xf32, #tpu.memory_space<vmem_shared>>) target_semaphore(%arg18 : memref<!tpu.dma_semaphore, #tpu.memory_space<semaphore_mem>>)
    %add3A_72 = arith.constant 0 : i32
    %add3A_73 = arith.addi %multiple_of3A, %add3A_72 : i32
    %dma_start3A_74 = arith.constant 0 : i32
    %dma_start3A_75 = tpu.memref_slice %arg16[%add3A_73, %dma_start3A_74] : memref<10240x16xf32, #tpu.memory_space<vmem_shared>> -> memref<80x16xf32, #tpu.memory_space<vmem_shared>>
    %dma_start3A_76 = arith.constant 0 : i32
    %dma_start3A_77 = tpu.memref_slice %arg16[%add3A_73, %dma_start3A_76] : memref<10240x16xf32, #tpu.memory_space<vmem_shared>> -> memref<80x16xf32, #tpu.memory_space<vmem_shared>>
    tpu.enqueue_dma source(%arg14 : memref<80x16xf32, #tpu.memory_space<vmem>>) target(%dma_start3A_77 : memref<80x16xf32, #tpu.memory_space<vmem_shared>>) target_semaphore(%arg18 : memref<!tpu.dma_semaphore, #tpu.memory_space<semaphore_mem>>)
    %add3A_78 = arith.constant 80 : i32
    %add3A_79 = arith.addi %multiple_of3A, %add3A_78 : i32
    %dma_start3A_80 = arith.constant 0 : i32
    %dma_start3A_81 = tpu.memref_slice %arg16[%add3A_79, %dma_start3A_80] : memref<10240x16xf32, #tpu.memory_space<vmem_shared>> -> memref<80x16xf32, #tpu.memory_space<vmem_shared>>
    %dma_start3A_82 = arith.constant 0 : i32
    %dma_start3A_83 = tpu.memref_slice %arg16[%add3A_79, %dma_start3A_82] : memref<10240x16xf32, #tpu.memory_space<vmem_shared>> -> memref<80x16xf32, #tpu.memory_space<vmem_shared>>
    tpu.enqueue_dma source(%arg14 : memref<80x16xf32, #tpu.memory_space<vmem>>) target(%dma_start3A_83 : memref<80x16xf32, #tpu.memory_space<vmem_shared>>) target_semaphore(%arg18 : memref<!tpu.dma_semaphore, #tpu.memory_space<semaphore_mem>>)
    %add3A_84 = arith.constant 160 : i32
    %add3A_85 = arith.addi %multiple_of3A, %add3A_84 : i32
    %dma_start3A_86 = arith.constant 0 : i32
    %dma_start3A_87 = tpu.memref_slice %arg16[%add3A_85, %dma_start3A_86] : memref<10240x16xf32, #tpu.memory_space<vmem_shared>> -> memref<80x16xf32, #tpu.memory_space<vmem_shared>>
    %dma_start3A_88 = arith.constant 0 : i32
    %dma_start3A_89 = tpu.memref_slice %arg16[%add3A_85, %dma_start3A_88] : memref<10240x16xf32, #tpu.memory_space<vmem_shared>> -> memref<80x16xf32, #tpu.memory_space<vmem_shared>>
    tpu.enqueue_dma source(%arg14 : memref<80x16xf32, #tpu.memory_space<vmem>>) target(%dma_start3A_89 : memref<80x16xf32, #tpu.memory_space<vmem_shared>>) target_semaphore(%arg18 : memref<!tpu.dma_semaphore, #tpu.memory_space<semaphore_mem>>)
    %add3A_90 = arith.constant 240 : i32
    %add3A_91 = arith.addi %multiple_of3A, %add3A_90 : i32
    %dma_start3A_92 = arith.constant 0 : i32
    %dma_start3A_93 = tpu.memref_slice %arg16[%add3A_91, %dma_start3A_92] : memref<10240x16xf32, #tpu.memory_space<vmem_shared>> -> memref<80x16xf32, #tpu.memory_space<vmem_shared>>
    %dma_start3A_94 = arith.constant 0 : i32
    %dma_start3A_95 = tpu.memref_slice %arg16[%add3A_91, %dma_start3A_94] : memref<10240x16xf32, #tpu.memory_space<vmem_shared>> -> memref<80x16xf32, #tpu.memory_space<vmem_shared>>
    tpu.enqueue_dma source(%arg14 : memref<80x16xf32, #tpu.memory_space<vmem>>) target(%dma_start3A_95 : memref<80x16xf32, #tpu.memory_space<vmem_shared>>) target_semaphore(%arg18 : memref<!tpu.dma_semaphore, #tpu.memory_space<semaphore_mem>>)
    %add3A_96 = arith.constant 320 : i32
    %add3A_97 = arith.addi %multiple_of3A, %add3A_96 : i32
    %dma_start3A_98 = arith.constant 0 : i32
    %dma_start3A_99 = tpu.memref_slice %arg16[%add3A_97, %dma_start3A_98] : memref<10240x16xf32, #tpu.memory_space<vmem_shared>> -> memref<80x16xf32, #tpu.memory_space<vmem_shared>>
    %dma_start3A_100 = arith.constant 0 : i32
    %dma_start3A_101 = tpu.memref_slice %arg16[%add3A_97, %dma_start3A_100] : memref<10240x16xf32, #tpu.memory_space<vmem_shared>> -> memref<80x16xf32, #tpu.memory_space<vmem_shared>>
    tpu.enqueue_dma source(%arg14 : memref<80x16xf32, #tpu.memory_space<vmem>>) target(%dma_start3A_101 : memref<80x16xf32, #tpu.memory_space<vmem_shared>>) target_semaphore(%arg18 : memref<!tpu.dma_semaphore, #tpu.memory_space<semaphore_mem>>)
    %add3A_102 = arith.constant 400 : i32
    %add3A_103 = arith.addi %multiple_of3A, %add3A_102 : i32
    %dma_start3A_104 = arith.constant 0 : i32
    %dma_start3A_105 = tpu.memref_slice %arg16[%add3A_103, %dma_start3A_104] : memref<10240x16xf32, #tpu.memory_space<vmem_shared>> -> memref<80x16xf32, #tpu.memory_space<vmem_shared>>
    %dma_start3A_106 = arith.constant 0 : i32
    %dma_start3A_107 = tpu.memref_slice %arg16[%add3A_103, %dma_start3A_106] : memref<10240x16xf32, #tpu.memory_space<vmem_shared>> -> memref<80x16xf32, #tpu.memory_space<vmem_shared>>
    tpu.enqueue_dma source(%arg14 : memref<80x16xf32, #tpu.memory_space<vmem>>) target(%dma_start3A_107 : memref<80x16xf32, #tpu.memory_space<vmem_shared>>) target_semaphore(%arg18 : memref<!tpu.dma_semaphore, #tpu.memory_space<semaphore_mem>>)
    %add3A_108 = arith.constant 480 : i32
    %add3A_109 = arith.addi %multiple_of3A, %add3A_108 : i32
    %dma_start3A_110 = arith.constant 0 : i32
    %dma_start3A_111 = tpu.memref_slice %arg16[%add3A_109, %dma_start3A_110] : memref<10240x16xf32, #tpu.memory_space<vmem_shared>> -> memref<80x16xf32, #tpu.memory_space<vmem_shared>>
    %dma_start3A_112 = arith.constant 0 : i32
    %dma_start3A_113 = tpu.memref_slice %arg16[%add3A_109, %dma_start3A_112] : memref<10240x16xf32, #tpu.memory_space<vmem_shared>> -> memref<80x16xf32, #tpu.memory_space<vmem_shared>>
    tpu.enqueue_dma source(%arg14 : memref<80x16xf32, #tpu.memory_space<vmem>>) target(%dma_start3A_113 : memref<80x16xf32, #tpu.memory_space<vmem_shared>>) target_semaphore(%arg18 : memref<!tpu.dma_semaphore, #tpu.memory_space<semaphore_mem>>)
    %add3A_114 = arith.constant 560 : i32
    %add3A_115 = arith.addi %multiple_of3A, %add3A_114 : i32
    %dma_start3A_116 = arith.constant 0 : i32
    %dma_start3A_117 = tpu.memref_slice %arg16[%add3A_115, %dma_start3A_116] : memref<10240x16xf32, #tpu.memory_space<vmem_shared>> -> memref<80x16xf32, #tpu.memory_space<vmem_shared>>
    %dma_start3A_118 = arith.constant 0 : i32
    %dma_start3A_119 = tpu.memref_slice %arg16[%add3A_115, %dma_start3A_118] : memref<10240x16xf32, #tpu.memory_space<vmem_shared>> -> memref<80x16xf32, #tpu.memory_space<vmem_shared>>
    tpu.enqueue_dma source(%arg14 : memref<80x16xf32, #tpu.memory_space<vmem>>) target(%dma_start3A_119 : memref<80x16xf32, #tpu.memory_space<vmem_shared>>) target_semaphore(%arg18 : memref<!tpu.dma_semaphore, #tpu.memory_space<semaphore_mem>>)
    %dma_wait3A = arith.constant 0 : i32
    %dma_wait3A_120 = arith.constant 0 : i32
    %dma_wait3A_121 = tpu.memref_slice %arg2[%add3A, %dma_wait3A, %dma_wait3A_120] : memref<32x125x80xi32, #tpu.memory_space<hbm>> -> memref<1x125x80xi32, #tpu.memory_space<hbm>>
    %dma_wait3A_122 = tpu.memref_squeeze %dma_wait3A_121 : memref<1x125x80xi32, #tpu.memory_space<hbm>> -> memref<125x80xi32, #tpu.memory_space<hbm>>
    %dma_wait3A_123 = arith.constant 0 : i32
    %dma_wait3A_124 = arith.constant 0 : i32
    %dma_wait3A_125 = tpu.memref_slice %arg2[%add3A, %dma_wait3A_123, %dma_wait3A_124] : memref<32x125x80xi32, #tpu.memory_space<hbm>> -> memref<1x125x80xi32, #tpu.memory_space<hbm>>
    %dma_wait3A_126 = tpu.memref_squeeze %dma_wait3A_125 : memref<1x125x80xi32, #tpu.memory_space<hbm>> -> memref<125x80xi32, #tpu.memory_space<hbm>>
    tpu.wait_dma2 semaphore(%arg17 : memref<!tpu.dma_semaphore, #tpu.memory_space<semaphore_mem>>) src(%dma_wait3A_126 : memref<125x80xi32, #tpu.memory_space<hbm>>) dst(%arg8 : memref<125x80xi32, #tpu.memory_space<vmem>>)
    %add3A_127 = arith.constant 0 : i32
    %add3A_128 = arith.addi %multiple_of3A, %add3A_127 : i32
    %dma_wait3A_129 = arith.constant 0 : i32
    %dma_wait3A_130 = tpu.memref_slice %arg15[%add3A_128, %dma_wait3A_129] : memref<10240x128xf32, #tpu.memory_space<vmem_shared>> -> memref<80x128xf32, #tpu.memory_space<vmem_shared>>
    %dma_wait3A_131 = arith.constant 0 : i32
    %dma_wait3A_132 = tpu.memref_slice %arg15[%add3A_128, %dma_wait3A_131] : memref<10240x128xf32, #tpu.memory_space<vmem_shared>> -> memref<80x128xf32, #tpu.memory_space<vmem_shared>>
    tpu.wait_dma2 semaphore(%arg18 : memref<!tpu.dma_semaphore, #tpu.memory_space<semaphore_mem>>) src(%arg11 : memref<80x128xf32, #tpu.memory_space<vmem>>) dst(%dma_wait3A_132 : memref<80x128xf32, #tpu.memory_space<vmem_shared>>)
    %add3A_133 = arith.constant 80 : i32
    %add3A_134 = arith.addi %multiple_of3A, %add3A_133 : i32
    %dma_wait3A_135 = arith.constant 0 : i32
    %dma_wait3A_136 = tpu.memref_slice %arg15[%add3A_134, %dma_wait3A_135] : memref<10240x128xf32, #tpu.memory_space<vmem_shared>> -> memref<80x128xf32, #tpu.memory_space<vmem_shared>>
    %dma_wait3A_137 = arith.constant 0 : i32
    %dma_wait3A_138 = tpu.memref_slice %arg15[%add3A_134, %dma_wait3A_137] : memref<10240x128xf32, #tpu.memory_space<vmem_shared>> -> memref<80x128xf32, #tpu.memory_space<vmem_shared>>
    tpu.wait_dma2 semaphore(%arg18 : memref<!tpu.dma_semaphore, #tpu.memory_space<semaphore_mem>>) src(%arg11 : memref<80x128xf32, #tpu.memory_space<vmem>>) dst(%dma_wait3A_138 : memref<80x128xf32, #tpu.memory_space<vmem_shared>>)
    %add3A_139 = arith.constant 160 : i32
    %add3A_140 = arith.addi %multiple_of3A, %add3A_139 : i32
    %dma_wait3A_141 = arith.constant 0 : i32
    %dma_wait3A_142 = tpu.memref_slice %arg15[%add3A_140, %dma_wait3A_141] : memref<10240x128xf32, #tpu.memory_space<vmem_shared>> -> memref<80x128xf32, #tpu.memory_space<vmem_shared>>
    %dma_wait3A_143 = arith.constant 0 : i32
    %dma_wait3A_144 = tpu.memref_slice %arg15[%add3A_140, %dma_wait3A_143] : memref<10240x128xf32, #tpu.memory_space<vmem_shared>> -> memref<80x128xf32, #tpu.memory_space<vmem_shared>>
    tpu.wait_dma2 semaphore(%arg18 : memref<!tpu.dma_semaphore, #tpu.memory_space<semaphore_mem>>) src(%arg11 : memref<80x128xf32, #tpu.memory_space<vmem>>) dst(%dma_wait3A_144 : memref<80x128xf32, #tpu.memory_space<vmem_shared>>)
    %add3A_145 = arith.constant 240 : i32
    %add3A_146 = arith.addi %multiple_of3A, %add3A_145 : i32
    %dma_wait3A_147 = arith.constant 0 : i32
    %dma_wait3A_148 = tpu.memref_slice %arg15[%add3A_146, %dma_wait3A_147] : memref<10240x128xf32, #tpu.memory_space<vmem_shared>> -> memref<80x128xf32, #tpu.memory_space<vmem_shared>>
    %dma_wait3A_149 = arith.constant 0 : i32
    %dma_wait3A_150 = tpu.memref_slice %arg15[%add3A_146, %dma_wait3A_149] : memref<10240x128xf32, #tpu.memory_space<vmem_shared>> -> memref<80x128xf32, #tpu.memory_space<vmem_shared>>
    tpu.wait_dma2 semaphore(%arg18 : memref<!tpu.dma_semaphore, #tpu.memory_space<semaphore_mem>>) src(%arg11 : memref<80x128xf32, #tpu.memory_space<vmem>>) dst(%dma_wait3A_150 : memref<80x128xf32, #tpu.memory_space<vmem_shared>>)
    %add3A_151 = arith.constant 320 : i32
    %add3A_152 = arith.addi %multiple_of3A, %add3A_151 : i32
    %dma_wait3A_153 = arith.constant 0 : i32
    %dma_wait3A_154 = tpu.memref_slice %arg15[%add3A_152, %dma_wait3A_153] : memref<10240x128xf32, #tpu.memory_space<vmem_shared>> -> memref<80x128xf32, #tpu.memory_space<vmem_shared>>
    %dma_wait3A_155 = arith.constant 0 : i32
    %dma_wait3A_156 = tpu.memref_slice %arg15[%add3A_152, %dma_wait3A_155] : memref<10240x128xf32, #tpu.memory_space<vmem_shared>> -> memref<80x128xf32, #tpu.memory_space<vmem_shared>>
    tpu.wait_dma2 semaphore(%arg18 : memref<!tpu.dma_semaphore, #tpu.memory_space<semaphore_mem>>) src(%arg11 : memref<80x128xf32, #tpu.memory_space<vmem>>) dst(%dma_wait3A_156 : memref<80x128xf32, #tpu.memory_space<vmem_shared>>)
    %add3A_157 = arith.constant 400 : i32
    %add3A_158 = arith.addi %multiple_of3A, %add3A_157 : i32
    %dma_wait3A_159 = arith.constant 0 : i32
    %dma_wait3A_160 = tpu.memref_slice %arg15[%add3A_158, %dma_wait3A_159] : memref<10240x128xf32, #tpu.memory_space<vmem_shared>> -> memref<80x128xf32, #tpu.memory_space<vmem_shared>>
    %dma_wait3A_161 = arith.constant 0 : i32
    %dma_wait3A_162 = tpu.memref_slice %arg15[%add3A_158, %dma_wait3A_161] : memref<10240x128xf32, #tpu.memory_space<vmem_shared>> -> memref<80x128xf32, #tpu.memory_space<vmem_shared>>
    tpu.wait_dma2 semaphore(%arg18 : memref<!tpu.dma_semaphore, #tpu.memory_space<semaphore_mem>>) src(%arg11 : memref<80x128xf32, #tpu.memory_space<vmem>>) dst(%dma_wait3A_162 : memref<80x128xf32, #tpu.memory_space<vmem_shared>>)
    %add3A_163 = arith.constant 480 : i32
    %add3A_164 = arith.addi %multiple_of3A, %add3A_163 : i32
    %dma_wait3A_165 = arith.constant 0 : i32
    %dma_wait3A_166 = tpu.memref_slice %arg15[%add3A_164, %dma_wait3A_165] : memref<10240x128xf32, #tpu.memory_space<vmem_shared>> -> memref<80x128xf32, #tpu.memory_space<vmem_shared>>
    %dma_wait3A_167 = arith.constant 0 : i32
    %dma_wait3A_168 = tpu.memref_slice %arg15[%add3A_164, %dma_wait3A_167] : memref<10240x128xf32, #tpu.memory_space<vmem_shared>> -> memref<80x128xf32, #tpu.memory_space<vmem_shared>>
    tpu.wait_dma2 semaphore(%arg18 : memref<!tpu.dma_semaphore, #tpu.memory_space<semaphore_mem>>) src(%arg11 : memref<80x128xf32, #tpu.memory_space<vmem>>) dst(%dma_wait3A_168 : memref<80x128xf32, #tpu.memory_space<vmem_shared>>)
    %add3A_169 = arith.constant 560 : i32
    %add3A_170 = arith.addi %multiple_of3A, %add3A_169 : i32
    %dma_wait3A_171 = arith.constant 0 : i32
    %dma_wait3A_172 = tpu.memref_slice %arg15[%add3A_170, %dma_wait3A_171] : memref<10240x128xf32, #tpu.memory_space<vmem_shared>> -> memref<80x128xf32, #tpu.memory_space<vmem_shared>>
    %dma_wait3A_173 = arith.constant 0 : i32
    %dma_wait3A_174 = tpu.memref_slice %arg15[%add3A_170, %dma_wait3A_173] : memref<10240x128xf32, #tpu.memory_space<vmem_shared>> -> memref<80x128xf32, #tpu.memory_space<vmem_shared>>
    tpu.wait_dma2 semaphore(%arg18 : memref<!tpu.dma_semaphore, #tpu.memory_space<semaphore_mem>>) src(%arg11 : memref<80x128xf32, #tpu.memory_space<vmem>>) dst(%dma_wait3A_174 : memref<80x128xf32, #tpu.memory_space<vmem_shared>>)
    %add3A_175 = arith.constant 0 : i32
    %add3A_176 = arith.addi %multiple_of3A, %add3A_175 : i32
    %dma_wait3A_177 = arith.constant 0 : i32
    %dma_wait3A_178 = tpu.memref_slice %arg16[%add3A_176, %dma_wait3A_177] : memref<10240x16xf32, #tpu.memory_space<vmem_shared>> -> memref<80x16xf32, #tpu.memory_space<vmem_shared>>
    %dma_wait3A_179 = arith.constant 0 : i32
    %dma_wait3A_180 = tpu.memref_slice %arg16[%add3A_176, %dma_wait3A_179] : memref<10240x16xf32, #tpu.memory_space<vmem_shared>> -> memref<80x16xf32, #tpu.memory_space<vmem_shared>>
    tpu.wait_dma2 semaphore(%arg18 : memref<!tpu.dma_semaphore, #tpu.memory_space<semaphore_mem>>) src(%arg14 : memref<80x16xf32, #tpu.memory_space<vmem>>) dst(%dma_wait3A_180 : memref<80x16xf32, #tpu.memory_space<vmem_shared>>)
    %add3A_181 = arith.constant 80 : i32
    %add3A_182 = arith.addi %multiple_of3A, %add3A_181 : i32
    %dma_wait3A_183 = arith.constant 0 : i32
    %dma_wait3A_184 = tpu.memref_slice %arg16[%add3A_182, %dma_wait3A_183] : memref<10240x16xf32, #tpu.memory_space<vmem_shared>> -> memref<80x16xf32, #tpu.memory_space<vmem_shared>>
    %dma_wait3A_185 = arith.constant 0 : i32
    %dma_wait3A_186 = tpu.memref_slice %arg16[%add3A_182, %dma_wait3A_185] : memref<10240x16xf32, #tpu.memory_space<vmem_shared>> -> memref<80x16xf32, #tpu.memory_space<vmem_shared>>
    tpu.wait_dma2 semaphore(%arg18 : memref<!tpu.dma_semaphore, #tpu.memory_space<semaphore_mem>>) src(%arg14 : memref<80x16xf32, #tpu.memory_space<vmem>>) dst(%dma_wait3A_186 : memref<80x16xf32, #tpu.memory_space<vmem_shared>>)
    %add3A_187 = arith.constant 160 : i32
    %add3A_188 = arith.addi %multiple_of3A, %add3A_187 : i32
    %dma_wait3A_189 = arith.constant 0 : i32
    %dma_wait3A_190 = tpu.memref_slice %arg16[%add3A_188, %dma_wait3A_189] : memref<10240x16xf32, #tpu.memory_space<vmem_shared>> -> memref<80x16xf32, #tpu.memory_space<vmem_shared>>
    %dma_wait3A_191 = arith.constant 0 : i32
    %dma_wait3A_192 = tpu.memref_slice %arg16[%add3A_188, %dma_wait3A_191] : memref<10240x16xf32, #tpu.memory_space<vmem_shared>> -> memref<80x16xf32, #tpu.memory_space<vmem_shared>>
    tpu.wait_dma2 semaphore(%arg18 : memref<!tpu.dma_semaphore, #tpu.memory_space<semaphore_mem>>) src(%arg14 : memref<80x16xf32, #tpu.memory_space<vmem>>) dst(%dma_wait3A_192 : memref<80x16xf32, #tpu.memory_space<vmem_shared>>)
    %add3A_193 = arith.constant 240 : i32
    %add3A_194 = arith.addi %multiple_of3A, %add3A_193 : i32
    %dma_wait3A_195 = arith.constant 0 : i32
    %dma_wait3A_196 = tpu.memref_slice %arg16[%add3A_194, %dma_wait3A_195] : memref<10240x16xf32, #tpu.memory_space<vmem_shared>> -> memref<80x16xf32, #tpu.memory_space<vmem_shared>>
    %dma_wait3A_197 = arith.constant 0 : i32
    %dma_wait3A_198 = tpu.memref_slice %arg16[%add3A_194, %dma_wait3A_197] : memref<10240x16xf32, #tpu.memory_space<vmem_shared>> -> memref<80x16xf32, #tpu.memory_space<vmem_shared>>
    tpu.wait_dma2 semaphore(%arg18 : memref<!tpu.dma_semaphore, #tpu.memory_space<semaphore_mem>>) src(%arg14 : memref<80x16xf32, #tpu.memory_space<vmem>>) dst(%dma_wait3A_198 : memref<80x16xf32, #tpu.memory_space<vmem_shared>>)
    %add3A_199 = arith.constant 320 : i32
    %add3A_200 = arith.addi %multiple_of3A, %add3A_199 : i32
    %dma_wait3A_201 = arith.constant 0 : i32
    %dma_wait3A_202 = tpu.memref_slice %arg16[%add3A_200, %dma_wait3A_201] : memref<10240x16xf32, #tpu.memory_space<vmem_shared>> -> memref<80x16xf32, #tpu.memory_space<vmem_shared>>
    %dma_wait3A_203 = arith.constant 0 : i32
    %dma_wait3A_204 = tpu.memref_slice %arg16[%add3A_200, %dma_wait3A_203] : memref<10240x16xf32, #tpu.memory_space<vmem_shared>> -> memref<80x16xf32, #tpu.memory_space<vmem_shared>>
    tpu.wait_dma2 semaphore(%arg18 : memref<!tpu.dma_semaphore, #tpu.memory_space<semaphore_mem>>) src(%arg14 : memref<80x16xf32, #tpu.memory_space<vmem>>) dst(%dma_wait3A_204 : memref<80x16xf32, #tpu.memory_space<vmem_shared>>)
    %add3A_205 = arith.constant 400 : i32
    %add3A_206 = arith.addi %multiple_of3A, %add3A_205 : i32
    %dma_wait3A_207 = arith.constant 0 : i32
    %dma_wait3A_208 = tpu.memref_slice %arg16[%add3A_206, %dma_wait3A_207] : memref<10240x16xf32, #tpu.memory_space<vmem_shared>> -> memref<80x16xf32, #tpu.memory_space<vmem_shared>>
    %dma_wait3A_209 = arith.constant 0 : i32
    %dma_wait3A_210 = tpu.memref_slice %arg16[%add3A_206, %dma_wait3A_209] : memref<10240x16xf32, #tpu.memory_space<vmem_shared>> -> memref<80x16xf32, #tpu.memory_space<vmem_shared>>
    tpu.wait_dma2 semaphore(%arg18 : memref<!tpu.dma_semaphore, #tpu.memory_space<semaphore_mem>>) src(%arg14 : memref<80x16xf32, #tpu.memory_space<vmem>>) dst(%dma_wait3A_210 : memref<80x16xf32, #tpu.memory_space<vmem_shared>>)
    %add3A_211 = arith.constant 480 : i32
    %add3A_212 = arith.addi %multiple_of3A, %add3A_211 : i32
    %dma_wait3A_213 = arith.constant 0 : i32
    %dma_wait3A_214 = tpu.memref_slice %arg16[%add3A_212, %dma_wait3A_213] : memref<10240x16xf32, #tpu.memory_space<vmem_shared>> -> memref<80x16xf32, #tpu.memory_space<vmem_shared>>
    %dma_wait3A_215 = arith.constant 0 : i32
    %dma_wait3A_216 = tpu.memref_slice %arg16[%add3A_212, %dma_wait3A_215] : memref<10240x16xf32, #tpu.memory_space<vmem_shared>> -> memref<80x16xf32, #tpu.memory_space<vmem_shared>>
    tpu.wait_dma2 semaphore(%arg18 : memref<!tpu.dma_semaphore, #tpu.memory_space<semaphore_mem>>) src(%arg14 : memref<80x16xf32, #tpu.memory_space<vmem>>) dst(%dma_wait3A_216 : memref<80x16xf32, #tpu.memory_space<vmem_shared>>)
    %add3A_217 = arith.constant 560 : i32
    %add3A_218 = arith.addi %multiple_of3A, %add3A_217 : i32
    %dma_wait3A_219 = arith.constant 0 : i32
    %dma_wait3A_220 = tpu.memref_slice %arg16[%add3A_218, %dma_wait3A_219] : memref<10240x16xf32, #tpu.memory_space<vmem_shared>> -> memref<80x16xf32, #tpu.memory_space<vmem_shared>>
    %dma_wait3A_221 = arith.constant 0 : i32
    %dma_wait3A_222 = tpu.memref_slice %arg16[%add3A_218, %dma_wait3A_221] : memref<10240x16xf32, #tpu.memory_space<vmem_shared>> -> memref<80x16xf32, #tpu.memory_space<vmem_shared>>
    tpu.wait_dma2 semaphore(%arg18 : memref<!tpu.dma_semaphore, #tpu.memory_space<semaphore_mem>>) src(%arg14 : memref<80x16xf32, #tpu.memory_space<vmem>>) dst(%dma_wait3A_222 : memref<80x16xf32, #tpu.memory_space<vmem_shared>>)
    %get3A = arith.constant 0 : i32
    %get3A_223 = arith.index_cast %get3A : i32 to index
    %get3A_224 = arith.constant 0 : index
    %get3A_225 = tpu.vector_load %arg8[%get3A_223, %get3A_224] {strides = array<i32>} : memref<125x80xi32, #tpu.memory_space<vmem>>, vector<1x16xi32>,
    %get3A_226 = vector.shape_cast %get3A_225 : vector<1x16xi32> to vector<16xi32>
    %and3A = arith.constant 65535 : i32
    %and3A_227 = vector.broadcast %and3A : i32 to vector<16xi32>
    %and3A_228 = arith.andi %get3A_226, %and3A_227 : vector<16xi32>
    %swap3A = arith.constant 0 : i32
    %swap3A_229 = arith.index_cast %swap3A : i32 to index
    %swap3A_230 = arith.constant 0 : index
    %swap3A_231 = tpu.vector_load %arg9[%swap3A_229, %swap3A_230] {strides = array<i32>} : memref<2x80xi32, #tpu.memory_space<vmem>>, vector<1x16xi32>,
    %swap3A_232 = vector.shape_cast %swap3A_231 : vector<1x16xi32> to vector<16xi32>
    %swap3A_233 = vector.shape_cast %and3A_228 : vector<16xi32> to vector<1x16xi32>
    tpu.vector_store %arg9[%swap3A_229, %swap3A_230], %swap3A_233 {strides = array<i32>} : memref<2x80xi32, #tpu.memory_space<vmem>>, vector<1x16xi32>,
    %shift_right_logical3A = arith.constant 16 : i32
    %shift_right_logical3A_234 = vector.broadcast %shift_right_logical3A : i32 to vector<16xi32>
    %shift_right_logical3A_235 = arith.shrui %get3A_226, %shift_right_logical3A_234 : vector<16xi32>
    %swap3A_236 = arith.constant 0 : i32
    %swap3A_237 = arith.index_cast %swap3A_236 : i32 to index
    %swap3A_238 = arith.constant 0 : index
    %swap3A_239 = tpu.vector_load %arg10[%swap3A_237, %swap3A_238] {strides = array<i32>} : memref<2x80xi32, #tpu.memory_space<vmem>>, vector<1x16xi32>,
    %swap3A_240 = vector.shape_cast %swap3A_239 : vector<1x16xi32> to vector<16xi32>
    %swap3A_241 = vector.shape_cast %shift_right_logical3A_235 : vector<16xi32> to vector<1x16xi32>
    tpu.vector_store %arg10[%swap3A_237, %swap3A_238], %swap3A_241 {strides = array<i32>} : memref<2x80xi32, #tpu.memory_space<vmem>>, vector<1x16xi32>,
    %get3A_242 = arith.constant 0 : i32
    %get3A_243 = arith.index_cast %get3A_242 : i32 to index
    %get3A_244 = arith.constant 16 : index
    %get3A_245 = tpu.vector_load %arg8[%get3A_243, %get3A_244] {strides = array<i32>} : memref<125x80xi32, #tpu.memory_space<vmem>>, vector<1x16xi32>,
    %get3A_246 = vector.shape_cast %get3A_245 : vector<1x16xi32> to vector<16xi32>
    %and3A_247 = arith.constant 65535 : i32
    %and3A_248 = vector.broadcast %and3A_247 : i32 to vector<16xi32>
    %and3A_249 = arith.andi %get3A_246, %and3A_248 : vector<16xi32>
    %swap3A_250 = arith.constant 0 : i32
    %swap3A_251 = arith.index_cast %swap3A_250 : i32 to index
    %swap3A_252 = arith.constant 16 : index
    %swap3A_253 = tpu.vector_load %arg9[%swap3A_251, %swap3A_252] {strides = array<i32>} : memref<2x80xi32, #tpu.memory_space<vmem>>, vector<1x16xi32>,
    %swap3A_254 = vector.shape_cast %swap3A_253 : vector<1x16xi32> to vector<16xi32>
    %swap3A_255 = vector.shape_cast %and3A_249 : vector<16xi32> to vector<1x16xi32>
    tpu.vector_store %arg9[%swap3A_251, %swap3A_252], %swap3A_255 {strides = array<i32>} : memref<2x80xi32, #tpu.memory_space<vmem>>, vector<1x16xi32>,
    %shift_right_logical3A_256 = arith.constant 16 : i32
    %shift_right_logical3A_257 = vector.broadcast %shift_right_logical3A_256 : i32 to vector<16xi32>
    %shift_right_logical3A_258 = arith.shrui %get3A_246, %shift_right_logical3A_257 : vector<16xi32>
    %swap3A_259 = arith.constant 0 : i32
    %swap3A_260 = arith.index_cast %swap3A_259 : i32 to index
    %swap3A_261 = arith.constant 16 : index
    %swap3A_262 = tpu.vector_load %arg10[%swap3A_260, %swap3A_261] {strides = array<i32>} : memref<2x80xi32, #tpu.memory_space<vmem>>, vector<1x16xi32>,
    %swap3A_263 = vector.shape_cast %swap3A_262 : vector<1x16xi32> to vector<16xi32>
    %swap3A_264 = vector.shape_cast %shift_right_logical3A_258 : vector<16xi32> to vector<1x16xi32>
    tpu.vector_store %arg10[%swap3A_260, %swap3A_261], %swap3A_264 {strides = array<i32>} : memref<2x80xi32, #tpu.memory_space<vmem>>, vector<1x16xi32>,
    %get3A_265 = arith.constant 0 : i32
    %get3A_266 = arith.index_cast %get3A_265 : i32 to index
    %get3A_267 = arith.constant 32 : index
    %get3A_268 = tpu.vector_load %arg8[%get3A_266, %get3A_267] {strides = array<i32>} : memref<125x80xi32, #tpu.memory_space<vmem>>, vector<1x16xi32>,
    %get3A_269 = vector.shape_cast %get3A_268 : vector<1x16xi32> to vector<16xi32>
    %and3A_270 = arith.constant 65535 : i32
    %and3A_271 = vector.broadcast %and3A_270 : i32 to vector<16xi32>
    %and3A_272 = arith.andi %get3A_269, %and3A_271 : vector<16xi32>
    %swap3A_273 = arith.constant 0 : i32
    %swap3A_274 = arith.index_cast %swap3A_273 : i32 to index
    %swap3A_275 = arith.constant 32 : index
    %swap3A_276 = tpu.vector_load %arg9[%swap3A_274, %swap3A_275] {strides = array<i32>} : memref<2x80xi32, #tpu.memory_space<vmem>>, vector<1x16xi32>,
    %swap3A_277 = vector.shape_cast %swap3A_276 : vector<1x16xi32> to vector<16xi32>
    %swap3A_278 = vector.shape_cast %and3A_272 : vector<16xi32> to vector<1x16xi32>
    tpu.vector_store %arg9[%swap3A_274, %swap3A_275], %swap3A_278 {strides = array<i32>} : memref<2x80xi32, #tpu.memory_space<vmem>>, vector<1x16xi32>,
    %shift_right_logical3A_279 = arith.constant 16 : i32
    %shift_right_logical3A_280 = vector.broadcast %shift_right_logical3A_279 : i32 to vector<16xi32>
    %shift_right_logical3A_281 = arith.shrui %get3A_269, %shift_right_logical3A_280 : vector<16xi32>
    %swap3A_282 = arith.constant 0 : i32
    %swap3A_283 = arith.index_cast %swap3A_282 : i32 to index
    %swap3A_284 = arith.constant 32 : index
    %swap3A_285 = tpu.vector_load %arg10[%swap3A_283, %swap3A_284] {strides = array<i32>} : memref<2x80xi32, #tpu.memory_space<vmem>>, vector<1x16xi32>,
    %swap3A_286 = vector.shape_cast %swap3A_285 : vector<1x16xi32> to vector<16xi32>
    %swap3A_287 = vector.shape_cast %shift_right_logical3A_281 : vector<16xi32> to vector<1x16xi32>
    tpu.vector_store %arg10[%swap3A_283, %swap3A_284], %swap3A_287 {strides = array<i32>} : memref<2x80xi32, #tpu.memory_space<vmem>>, vector<1x16xi32>,
    %get3A_288 = arith.constant 0 : i32
    %get3A_289 = arith.index_cast %get3A_288 : i32 to index
    %get3A_290 = arith.constant 48 : index
    %get3A_291 = tpu.vector_load %arg8[%get3A_289, %get3A_290] {strides = array<i32>} : memref<125x80xi32, #tpu.memory_space<vmem>>, vector<1x16xi32>,
    %get3A_292 = vector.shape_cast %get3A_291 : vector<1x16xi32> to vector<16xi32>
    %and3A_293 = arith.constant 65535 : i32
    %and3A_294 = vector.broadcast %and3A_293 : i32 to vector<16xi32>
    %and3A_295 = arith.andi %get3A_292, %and3A_294 : vector<16xi32>
    %swap3A_296 = arith.constant 0 : i32
    %swap3A_297 = arith.index_cast %swap3A_296 : i32 to index
    %swap3A_298 = arith.constant 48 : index
    %swap3A_299 = tpu.vector_load %arg9[%swap3A_297, %swap3A_298] {strides = array<i32>} : memref<2x80xi32, #tpu.memory_space<vmem>>, vector<1x16xi32>,
    %swap3A_300 = vector.shape_cast %swap3A_299 : vector<1x16xi32> to vector<16xi32>
    %swap3A_301 = vector.shape_cast %and3A_295 : vector<16xi32> to vector<1x16xi32>
    tpu.vector_store %arg9[%swap3A_297, %swap3A_298], %swap3A_301 {strides = array<i32>} : memref<2x80xi32, #tpu.memory_space<vmem>>, vector<1x16xi32>,
    %shift_right_logical3A_302 = arith.constant 16 : i32
    %shift_right_logical3A_303 = vector.broadcast %shift_right_logical3A_302 : i32 to vector<16xi32>
    %shift_right_logical3A_304 = arith.shrui %get3A_292, %shift_right_logical3A_303 : vector<16xi32>
    %swap3A_305 = arith.constant 0 : i32
    %swap3A_306 = arith.index_cast %swap3A_305 : i32 to index
    %swap3A_307 = arith.constant 48 : index
    %swap3A_308 = tpu.vector_load %arg10[%swap3A_306, %swap3A_307] {strides = array<i32>} : memref<2x80xi32, #tpu.memory_space<vmem>>, vector<1x16xi32>,
    %swap3A_309 = vector.shape_cast %swap3A_308 : vector<1x16xi32> to vector<16xi32>
    %swap3A_310 = vector.shape_cast %shift_right_logical3A_304 : vector<16xi32> to vector<1x16xi32>
    tpu.vector_store %arg10[%swap3A_306, %swap3A_307], %swap3A_310 {strides = array<i32>} : memref<2x80xi32, #tpu.memory_space<vmem>>, vector<1x16xi32>,
    %get3A_311 = arith.constant 0 : i32
    %get3A_312 = arith.index_cast %get3A_311 : i32 to index
    %get3A_313 = arith.constant 64 : index
    %get3A_314 = tpu.vector_load %arg8[%get3A_312, %get3A_313] {strides = array<i32>} : memref<125x80xi32, #tpu.memory_space<vmem>>, vector<1x16xi32>,
    %get3A_315 = vector.shape_cast %get3A_314 : vector<1x16xi32> to vector<16xi32>
    %and3A_316 = arith.constant 65535 : i32
    %and3A_317 = vector.broadcast %and3A_316 : i32 to vector<16xi32>
    %and3A_318 = arith.andi %get3A_315, %and3A_317 : vector<16xi32>
    %swap3A_319 = arith.constant 0 : i32
    %swap3A_320 = arith.index_cast %swap3A_319 : i32 to index
    %swap3A_321 = arith.constant 64 : index
    %swap3A_322 = tpu.vector_load %arg9[%swap3A_320, %swap3A_321] {strides = array<i32>} : memref<2x80xi32, #tpu.memory_space<vmem>>, vector<1x16xi32>,
    %swap3A_323 = vector.shape_cast %swap3A_322 : vector<1x16xi32> to vector<16xi32>
    %swap3A_324 = vector.shape_cast %and3A_318 : vector<16xi32> to vector<1x16xi32>
    tpu.vector_store %arg9[%swap3A_320, %swap3A_321], %swap3A_324 {strides = array<i32>} : memref<2x80xi32, #tpu.memory_space<vmem>>, vector<1x16xi32>,
    %shift_right_logical3A_325 = arith.constant 16 : i32
    %shift_right_logical3A_326 = vector.broadcast %shift_right_logical3A_325 : i32 to vector<16xi32>
    %shift_right_logical3A_327 = arith.shrui %get3A_315, %shift_right_logical3A_326 : vector<16xi32>
    %swap3A_328 = arith.constant 0 : i32
    %swap3A_329 = arith.index_cast %swap3A_328 : i32 to index
    %swap3A_330 = arith.constant 64 : index
    %swap3A_331 = tpu.vector_load %arg10[%swap3A_329, %swap3A_330] {strides = array<i32>} : memref<2x80xi32, #tpu.memory_space<vmem>>, vector<1x16xi32>,
    %swap3A_332 = vector.shape_cast %swap3A_331 : vector<1x16xi32> to vector<16xi32>
    %swap3A_333 = vector.shape_cast %shift_right_logical3A_327 : vector<16xi32> to vector<1x16xi32>
    tpu.vector_store %arg10[%swap3A_329, %swap3A_330], %swap3A_333 {strides = array<i32>} : memref<2x80xi32, #tpu.memory_space<vmem>>, vector<1x16xi32>,
    %get3A_334 = arith.constant 1 : i32
    %get3A_335 = arith.index_cast %get3A_334 : i32 to index
    %get3A_336 = arith.constant 0 : index
    %get3A_337 = tpu.vector_load %arg8[%get3A_335, %get3A_336] {strides = array<i32>} : memref<125x80xi32, #tpu.memory_space<vmem>>, vector<1x16xi32>,
    %get3A_338 = vector.shape_cast %get3A_337 : vector<1x16xi32> to vector<16xi32>
    %and3A_339 = arith.constant 65535 : i32
    %and3A_340 = vector.broadcast %and3A_339 : i32 to vector<16xi32>
    %and3A_341 = arith.andi %get3A_338, %and3A_340 : vector<16xi32>
    %swap3A_342 = arith.constant 1 : i32
    %swap3A_343 = arith.index_cast %swap3A_342 : i32 to index
    %swap3A_344 = arith.constant 0 : index
    %swap3A_345 = tpu.vector_load %arg9[%swap3A_343, %swap3A_344] {strides = array<i32>} : memref<2x80xi32, #tpu.memory_space<vmem>>, vector<1x16xi32>,
    %swap3A_346 = vector.shape_cast %swap3A_345 : vector<1x16xi32> to vector<16xi32>
    %swap3A_347 = vector.shape_cast %and3A_341 : vector<16xi32> to vector<1x16xi32>
    tpu.vector_store %arg9[%swap3A_343, %swap3A_344], %swap3A_347 {strides = array<i32>} : memref<2x80xi32, #tpu.memory_space<vmem>>, vector<1x16xi32>,
    %shift_right_logical3A_348 = arith.constant 16 : i32
    %shift_right_logical3A_349 = vector.broadcast %shift_right_logical3A_348 : i32 to vector<16xi32>
    %shift_right_logical3A_350 = arith.shrui %get3A_338, %shift_right_logical3A_349 : vector<16xi32>
    %swap3A_351 = arith.constant 1 : i32
    %swap3A_352 = arith.index_cast %swap3A_351 : i32 to index
    %swap3A_353 = arith.constant 0 : index
    %swap3A_354 = tpu.vector_load %arg10[%swap3A_352, %swap3A_353] {strides = array<i32>} : memref<2x80xi32, #tpu.memory_space<vmem>>, vector<1x16xi32>,
    %swap3A_355 = vector.shape_cast %swap3A_354 : vector<1x16xi32> to vector<16xi32>
    %swap3A_356 = vector.shape_cast %shift_right_logical3A_350 : vector<16xi32> to vector<1x16xi32>
    tpu.vector_store %arg10[%swap3A_352, %swap3A_353], %swap3A_356 {strides = array<i32>} : memref<2x80xi32, #tpu.memory_space<vmem>>, vector<1x16xi32>,
    %get3A_357 = arith.constant 1 : i32
    %get3A_358 = arith.index_cast %get3A_357 : i32 to index
    %get3A_359 = arith.constant 16 : index
    %get3A_360 = tpu.vector_load %arg8[%get3A_358, %get3A_359] {strides = array<i32>} : memref<125x80xi32, #tpu.memory_space<vmem>>, vector<1x16xi32>,
    %get3A_361 = vector.shape_cast %get3A_360 : vector<1x16xi32> to vector<16xi32>
    %and3A_362 = arith.constant 65535 : i32
    %and3A_363 = vector.broadcast %and3A_362 : i32 to vector<16xi32>
    %and3A_364 = arith.andi %get3A_361, %and3A_363 : vector<16xi32>
    %swap3A_365 = arith.constant 1 : i32
    %swap3A_366 = arith.index_cast %swap3A_365 : i32 to index
    %swap3A_367 = arith.constant 16 : index
    %swap3A_368 = tpu.vector_load %arg9[%swap3A_366, %swap3A_367] {strides = array<i32>} : memref<2x80xi32, #tpu.memory_space<vmem>>, vector<1x16xi32>,
    %swap3A_369 = vector.shape_cast %swap3A_368 : vector<1x16xi32> to vector<16xi32>
    %swap3A_370 = vector.shape_cast %and3A_364 : vector<16xi32> to vector<1x16xi32>
    tpu.vector_store %arg9[%swap3A_366, %swap3A_367], %swap3A_370 {strides = array<i32>} : memref<2x80xi32, #tpu.memory_space<vmem>>, vector<1x16xi32>,
    %shift_right_logical3A_371 = arith.constant 16 : i32
    %shift_right_logical3A_372 = vector.broadcast %shift_right_logical3A_371 : i32 to vector<16xi32>
    %shift_right_logical3A_373 = arith.shrui %get3A_361, %shift_right_logical3A_372 : vector<16xi32>
    %swap3A_374 = arith.constant 1 : i32
    %swap3A_375 = arith.index_cast %swap3A_374 : i32 to index
    %swap3A_376 = arith.constant 16 : index
    %swap3A_377 = tpu.vector_load %arg10[%swap3A_375, %swap3A_376] {strides = array<i32>} : memref<2x80xi32, #tpu.memory_space<vmem>>, vector<1x16xi32>,
    %swap3A_378 = vector.shape_cast %swap3A_377 : vector<1x16xi32> to vector<16xi32>
    %swap3A_379 = vector.shape_cast %shift_right_logical3A_373 : vector<16xi32> to vector<1x16xi32>
    tpu.vector_store %arg10[%swap3A_375, %swap3A_376], %swap3A_379 {strides = array<i32>} : memref<2x80xi32, #tpu.memory_space<vmem>>, vector<1x16xi32>,
    %get3A_380 = arith.constant 1 : i32
    %get3A_381 = arith.index_cast %get3A_380 : i32 to index
    %get3A_382 = arith.constant 32 : index
    %get3A_383 = tpu.vector_load %arg8[%get3A_381, %get3A_382] {strides = array<i32>} : memref<125x80xi32, #tpu.memory_space<vmem>>, vector<1x16xi32>,
    %get3A_384 = vector.shape_cast %get3A_383 : vector<1x16xi32> to vector<16xi32>
    %and3A_385 = arith.constant 65535 : i32
    %and3A_386 = vector.broadcast %and3A_385 : i32 to vector<16xi32>
    %and3A_387 = arith.andi %get3A_384, %and3A_386 : vector<16xi32>
    %swap3A_388 = arith.constant 1 : i32
    %swap3A_389 = arith.index_cast %swap3A_388 : i32 to index
    %swap3A_390 = arith.constant 32 : index
    %swap3A_391 = tpu.vector_load %arg9[%swap3A_389, %swap3A_390] {strides = array<i32>} : memref<2x80xi32, #tpu.memory_space<vmem>>, vector<1x16xi32>,
    %swap3A_392 = vector.shape_cast %swap3A_391 : vector<1x16xi32> to vector<16xi32>
    %swap3A_393 = vector.shape_cast %and3A_387 : vector<16xi32> to vector<1x16xi32>
    tpu.vector_store %arg9[%swap3A_389, %swap3A_390], %swap3A_393 {strides = array<i32>} : memref<2x80xi32, #tpu.memory_space<vmem>>, vector<1x16xi32>,
    %shift_right_logical3A_394 = arith.constant 16 : i32
    %shift_right_logical3A_395 = vector.broadcast %shift_right_logical3A_394 : i32 to vector<16xi32>
    %shift_right_logical3A_396 = arith.shrui %get3A_384, %shift_right_logical3A_395 : vector<16xi32>
    %swap3A_397 = arith.constant 1 : i32
    %swap3A_398 = arith.index_cast %swap3A_397 : i32 to index
    %swap3A_399 = arith.constant 32 : index
    %swap3A_400 = tpu.vector_load %arg10[%swap3A_398, %swap3A_399] {strides = array<i32>} : memref<2x80xi32, #tpu.memory_space<vmem>>, vector<1x16xi32>,
    %swap3A_401 = vector.shape_cast %swap3A_400 : vector<1x16xi32> to vector<16xi32>
    %swap3A_402 = vector.shape_cast %shift_right_logical3A_396 : vector<16xi32> to vector<1x16xi32>
    tpu.vector_store %arg10[%swap3A_398, %swap3A_399], %swap3A_402 {strides = array<i32>} : memref<2x80xi32, #tpu.memory_space<vmem>>, vector<1x16xi32>,
    %get3A_403 = arith.constant 1 : i32
    %get3A_404 = arith.index_cast %get3A_403 : i32 to index
    %get3A_405 = arith.constant 48 : index
    %get3A_406 = tpu.vector_load %arg8[%get3A_404, %get3A_405] {strides = array<i32>} : memref<125x80xi32, #tpu.memory_space<vmem>>, vector<1x16xi32>,
    %get3A_407 = vector.shape_cast %get3A_406 : vector<1x16xi32> to vector<16xi32>
    %and3A_408 = arith.constant 65535 : i32
    %and3A_409 = vector.broadcast %and3A_408 : i32 to vector<16xi32>
    %and3A_410 = arith.andi %get3A_407, %and3A_409 : vector<16xi32>
    %swap3A_411 = arith.constant 1 : i32
    %swap3A_412 = arith.index_cast %swap3A_411 : i32 to index
    %swap3A_413 = arith.constant 48 : index
    %swap3A_414 = tpu.vector_load %arg9[%swap3A_412, %swap3A_413] {strides = array<i32>} : memref<2x80xi32, #tpu.memory_space<vmem>>, vector<1x16xi32>,
    %swap3A_415 = vector.shape_cast %swap3A_414 : vector<1x16xi32> to vector<16xi32>
    %swap3A_416 = vector.shape_cast %and3A_410 : vector<16xi32> to vector<1x16xi32>
    tpu.vector_store %arg9[%swap3A_412, %swap3A_413], %swap3A_416 {strides = array<i32>} : memref<2x80xi32, #tpu.memory_space<vmem>>, vector<1x16xi32>,
    %shift_right_logical3A_417 = arith.constant 16 : i32
    %shift_right_logical3A_418 = vector.broadcast %shift_right_logical3A_417 : i32 to vector<16xi32>
    %shift_right_logical3A_419 = arith.shrui %get3A_407, %shift_right_logical3A_418 : vector<16xi32>
    %swap3A_420 = arith.constant 1 : i32
    %swap3A_421 = arith.index_cast %swap3A_420 : i32 to index
    %swap3A_422 = arith.constant 48 : index
    %swap3A_423 = tpu.vector_load %arg10[%swap3A_421, %swap3A_422] {strides = array<i32>} : memref<2x80xi32, #tpu.memory_space<vmem>>, vector<1x16xi32>,
    %swap3A_424 = vector.shape_cast %swap3A_423 : vector<1x16xi32> to vector<16xi32>
    %swap3A_425 = vector.shape_cast %shift_right_logical3A_419 : vector<16xi32> to vector<1x16xi32>
    tpu.vector_store %arg10[%swap3A_421, %swap3A_422], %swap3A_425 {strides = array<i32>} : memref<2x80xi32, #tpu.memory_space<vmem>>, vector<1x16xi32>,
    %get3A_426 = arith.constant 1 : i32
    %get3A_427 = arith.index_cast %get3A_426 : i32 to index
    %get3A_428 = arith.constant 64 : index
    %get3A_429 = tpu.vector_load %arg8[%get3A_427, %get3A_428] {strides = array<i32>} : memref<125x80xi32, #tpu.memory_space<vmem>>, vector<1x16xi32>,
    %get3A_430 = vector.shape_cast %get3A_429 : vector<1x16xi32> to vector<16xi32>
    %and3A_431 = arith.constant 65535 : i32
    %and3A_432 = vector.broadcast %and3A_431 : i32 to vector<16xi32>
    %and3A_433 = arith.andi %get3A_430, %and3A_432 : vector<16xi32>
    %swap3A_434 = arith.constant 1 : i32
    %swap3A_435 = arith.index_cast %swap3A_434 : i32 to index
    %swap3A_436 = arith.constant 64 : index
    %swap3A_437 = tpu.vector_load %arg9[%swap3A_435, %swap3A_436] {strides = array<i32>} : memref<2x80xi32, #tpu.memory_space<vmem>>, vector<1x16xi32>,
    %swap3A_438 = vector.shape_cast %swap3A_437 : vector<1x16xi32> to vector<16xi32>
    %swap3A_439 = vector.shape_cast %and3A_433 : vector<16xi32> to vector<1x16xi32>
    tpu.vector_store %arg9[%swap3A_435, %swap3A_436], %swap3A_439 {strides = array<i32>} : memref<2x80xi32, #tpu.memory_space<vmem>>, vector<1x16xi32>,
    %shift_right_logical3A_440 = arith.constant 16 : i32
    %shift_right_logical3A_441 = vector.broadcast %shift_right_logical3A_440 : i32 to vector<16xi32>
    %shift_right_logical3A_442 = arith.shrui %get3A_430, %shift_right_logical3A_441 : vector<16xi32>
    %swap3A_443 = arith.constant 1 : i32
    %swap3A_444 = arith.index_cast %swap3A_443 : i32 to index
    %swap3A_445 = arith.constant 64 : index
    %swap3A_446 = tpu.vector_load %arg10[%swap3A_444, %swap3A_445] {strides = array<i32>} : memref<2x80xi32, #tpu.memory_space<vmem>>, vector<1x16xi32>,
    %swap3A_447 = vector.shape_cast %swap3A_446 : vector<1x16xi32> to vector<16xi32>
    %swap3A_448 = vector.shape_cast %shift_right_logical3A_442 : vector<16xi32> to vector<1x16xi32>
    tpu.vector_store %arg10[%swap3A_444, %swap3A_445], %swap3A_448 {strides = array<i32>} : memref<2x80xi32, #tpu.memory_space<vmem>>, vector<1x16xi32>,
    %dma_start3A_449 = arith.constant 0 : i32
    %dma_start3A_450 = arith.constant 0 : i32
    %dma_start3A_451 = tpu.memref_slice %arg9[%dma_start3A_449, %dma_start3A_450] : memref<2x80xi32, #tpu.memory_space<vmem>> -> memref<1x80xi32, #tpu.memory_space<vmem>>
    %dma_start3A_452 = tpu.memref_squeeze %dma_start3A_451 : memref<1x80xi32, #tpu.memory_space<vmem>> -> memref<80xi32, #tpu.memory_space<vmem>>
    %dma_start3A_453 = arith.constant 0 : i32
    %dma_start3A_454 = arith.constant 0 : i32
    %dma_start3A_455 = tpu.memref_slice %arg3[%dma_start3A_453, %dma_start3A_454] : memref<10000x128xf32, #tpu.memory_space<hbm>> -> memref<10000x128xf32, #tpu.memory_space<hbm>>
    tpu.enqueue_indirect_dma source(%dma_start3A_455 : memref<10000x128xf32, #tpu.memory_space<hbm>>) target(%arg11 : memref<80x128xf32, #tpu.memory_space<vmem>>) offsets(%dma_start3A_452 : memref<80xi32, #tpu.memory_space<vmem>>) semaphore(%arg17 : memref<!tpu.dma_semaphore, #tpu.memory_space<semaphore_mem>>)
    %dma_start3A_456 = arith.constant 1 : i32
    %dma_start3A_457 = arith.constant 0 : i32
    %dma_start3A_458 = tpu.memref_slice %arg9[%dma_start3A_456, %dma_start3A_457] : memref<2x80xi32, #tpu.memory_space<vmem>> -> memref<1x80xi32, #tpu.memory_space<vmem>>
    %dma_start3A_459 = tpu.memref_squeeze %dma_start3A_458 : memref<1x80xi32, #tpu.memory_space<vmem>> -> memref<80xi32, #tpu.memory_space<vmem>>
    %dma_start3A_460 = arith.constant 0 : i32
    %dma_start3A_461 = arith.constant 0 : i32
    %dma_start3A_462 = tpu.memref_slice %arg3[%dma_start3A_460, %dma_start3A_461] : memref<10000x128xf32, #tpu.memory_space<hbm>> -> memref<10000x128xf32, #tpu.memory_space<hbm>>
    tpu.enqueue_indirect_dma source(%dma_start3A_462 : memref<10000x128xf32, #tpu.memory_space<hbm>>) target(%arg12 : memref<80x128xf32, #tpu.memory_space<vmem>>) offsets(%dma_start3A_459 : memref<80xi32, #tpu.memory_space<vmem>>) semaphore(%arg18 : memref<!tpu.dma_semaphore, #tpu.memory_space<semaphore_mem>>)
    %barrier3A = arith.constant 0 : index
    tpu.barrier barrier_id(%barrier3A)
    %scan3A_463 = arith.constant 0 : i32
    %scan3A_464 = arith.constant 0 : i32
    %scan3A_465 = arith.constant 62 : i32
    %scan3A_466 = arith.addi %scan3A_464, %scan3A_465 : i32
    %scan3A_467 = arith.constant 1 : i32
    scf.for %scan3A_485 = %scan3A_464 to %scan3A_466 step %scan3A_467  : i32 {
      %mul3A_486 = arith.constant 2 : i32
      %mul3A_487 = arith.muli %mul3A_486, %scan3A_485 : i32
      %dma_wait3A_488 = arith.constant 0 : i32
      %dma_wait3A_489 = arith.constant 0 : i32
      %dma_wait3A_490 = tpu.memref_slice %arg9[%dma_wait3A_488, %dma_wait3A_489] : memref<2x80xi32, #tpu.memory_space<vmem>> -> memref<1x80xi32, #tpu.memory_space<vmem>>
      %dma_wait3A_491 = tpu.memref_squeeze %dma_wait3A_490 : memref<1x80xi32, #tpu.memory_space<vmem>> -> memref<80xi32, #tpu.memory_space<vmem>>
      %dma_wait3A_492 = arith.constant 0 : i32
      %dma_wait3A_493 = arith.constant 0 : i32
      %dma_wait3A_494 = tpu.memref_slice %arg3[%dma_wait3A_492, %dma_wait3A_493] : memref<10000x128xf32, #tpu.memory_space<hbm>> -> memref<10000x128xf32, #tpu.memory_space<hbm>>
      tpu.wait_indirect_dma semaphore(%arg17 : memref<!tpu.dma_semaphore, #tpu.memory_space<semaphore_mem>>) src(%dma_wait3A_494 : memref<10000x128xf32, #tpu.memory_space<hbm>>) dst(%arg11 : memref<80x128xf32, #tpu.memory_space<vmem>>)
      %run_scoped3A_495 = arith.constant 0 : i32
      "tpu.region"() ({
        %run_scoped3A_521 = tpu.sem_alloc : memref<!tpu.dma_semaphore, #tpu.memory_space<semaphore_mem>>
        %dma_start3A_522 = arith.constant 0 : i32
        %dma_start3A_523 = tpu.memref_slice %arg10[%run_scoped3A_495, %dma_start3A_522] : memref<2x80xi32, #tpu.memory_space<vmem>> -> memref<1x80xi32, #tpu.memory_space<vmem>>
        %dma_start3A_524 = tpu.memref_squeeze %dma_start3A_523 : memref<1x80xi32, #tpu.memory_space<vmem>> -> memref<80xi32, #tpu.memory_space<vmem>>
        %dma_start3A_525 = arith.constant 0 : i32
        %dma_start3A_526 = arith.constant 0 : i32
        %dma_start3A_527 = tpu.memref_slice %arg15[%dma_start3A_525, %dma_start3A_526] : memref<10240x128xf32, #tpu.memory_space<vmem_shared>> -> memref<10240x128xf32, #tpu.memory_space<vmem_shared>>
        tpu.enqueue_indirect_dma source(%arg11 : memref<80x128xf32, #tpu.memory_space<vmem>>) target(%dma_start3A_527 : memref<10240x128xf32, #tpu.memory_space<vmem_shared>>) offsets(%dma_start3A_524 : memref<80xi32, #tpu.memory_space<vmem>>) semaphore(%run_scoped3A_521 : memref<!tpu.dma_semaphore, #tpu.memory_space<semaphore_mem>>) {add = true}
        %dma_wait3A_528 = arith.constant 0 : i32
        %dma_wait3A_529 = tpu.memref_slice %arg10[%run_scoped3A_495, %dma_wait3A_528] : memref<2x80xi32, #tpu.memory_space<vmem>> -> memref<1x80xi32, #tpu.memory_space<vmem>>
        %dma_wait3A_530 = tpu.memref_squeeze %dma_wait3A_529 : memref<1x80xi32, #tpu.memory_space<vmem>> -> memref<80xi32, #tpu.memory_space<vmem>>
        %dma_wait3A_531 = arith.constant 0 : i32
        %dma_wait3A_532 = arith.constant 0 : i32
        %dma_wait3A_533 = tpu.memref_slice %arg15[%dma_wait3A_531, %dma_wait3A_532] : memref<10240x128xf32, #tpu.memory_space<vmem_shared>> -> memref<10240x128xf32, #tpu.memory_space<vmem_shared>>
        tpu.wait_indirect_dma semaphore(%run_scoped3A_521 : memref<!tpu.dma_semaphore, #tpu.memory_space<semaphore_mem>>) src(%arg11 : memref<80x128xf32, #tpu.memory_space<vmem>>) dst(%dma_wait3A_533 : memref<10240x128xf32, #tpu.memory_space<vmem_shared>>)
        tpu.yield
      }) : () -> ()
      %run_scoped3A_496 = arith.constant 0 : i32
      "tpu.region"() ({
        %run_scoped3A_521 = tpu.sem_alloc : memref<!tpu.dma_semaphore, #tpu.memory_space<semaphore_mem>>
        %dma_start3A_522 = arith.constant 0 : i32
        %dma_start3A_523 = tpu.memref_slice %arg10[%run_scoped3A_496, %dma_start3A_522] : memref<2x80xi32, #tpu.memory_space<vmem>> -> memref<1x80xi32, #tpu.memory_space<vmem>>
        %dma_start3A_524 = tpu.memref_squeeze %dma_start3A_523 : memref<1x80xi32, #tpu.memory_space<vmem>> -> memref<80xi32, #tpu.memory_space<vmem>>
        %dma_start3A_525 = arith.constant 0 : i32
        %dma_start3A_526 = arith.constant 0 : i32
        %dma_start3A_527 = tpu.memref_slice %arg16[%dma_start3A_525, %dma_start3A_526] : memref<10240x16xf32, #tpu.memory_space<vmem_shared>> -> memref<10240x16xf32, #tpu.memory_space<vmem_shared>>
        tpu.enqueue_indirect_dma source(%arg13 : memref<80x16xf32, #tpu.memory_space<vmem>>) target(%dma_start3A_527 : memref<10240x16xf32, #tpu.memory_space<vmem_shared>>) offsets(%dma_start3A_524 : memref<80xi32, #tpu.memory_space<vmem>>) semaphore(%run_scoped3A_521 : memref<!tpu.dma_semaphore, #tpu.memory_space<semaphore_mem>>) {add = true}
        %dma_wait3A_528 = arith.constant 0 : i32
        %dma_wait3A_529 = tpu.memref_slice %arg10[%run_scoped3A_496, %dma_wait3A_528] : memref<2x80xi32, #tpu.memory_space<vmem>> -> memref<1x80xi32, #tpu.memory_space<vmem>>
        %dma_wait3A_530 = tpu.memref_squeeze %dma_wait3A_529 : memref<1x80xi32, #tpu.memory_space<vmem>> -> memref<80xi32, #tpu.memory_space<vmem>>
        %dma_wait3A_531 = arith.constant 0 : i32
        %dma_wait3A_532 = arith.constant 0 : i32
        %dma_wait3A_533 = tpu.memref_slice %arg16[%dma_wait3A_531, %dma_wait3A_532] : memref<10240x16xf32, #tpu.memory_space<vmem_shared>> -> memref<10240x16xf32, #tpu.memory_space<vmem_shared>>
        tpu.wait_indirect_dma semaphore(%run_scoped3A_521 : memref<!tpu.dma_semaphore, #tpu.memory_space<semaphore_mem>>) src(%arg13 : memref<80x16xf32, #tpu.memory_space<vmem>>) dst(%dma_wait3A_533 : memref<10240x16xf32, #tpu.memory_space<vmem_shared>>)
        tpu.yield
      }) : () -> ()
      %add3A_497 = arith.constant 2 : i32
      %add3A_498 = arith.addi %mul3A_487, %add3A_497 : i32
      %lt3A = arith.constant 125 : i32
      %lt3A_499 = arith.cmpi slt, %add3A_498, %lt3A : i32
      %convert_element_type3A_500 = arith.extui %lt3A_499 : i1 to i32
      %cond3A_501 = arith.constant 0 : i32
      %cond3A_502 = arith.cmpi ne, %convert_element_type3A_500, %cond3A_501 : i32
      scf.if %cond3A_502 {
        %add3A_521 = arith.constant 2 : i32
        %add3A_522 = arith.addi %mul3A_487, %add3A_521 : i32
        %get3A_523 = arith.index_cast %add3A_522 : i32 to index
        %get3A_524 = arith.constant 0 : index
        %get3A_525 = tpu.vector_load %arg8[%get3A_523, %get3A_524] {strides = array<i32>} : memref<125x80xi32, #tpu.memory_space<vmem>>, vector<1x16xi32>,
        %get3A_526 = vector.shape_cast %get3A_525 : vector<1x16xi32> to vector<16xi32>
        %and3A_527 = arith.constant 65535 : i32
        %and3A_528 = vector.broadcast %and3A_527 : i32 to vector<16xi32>
        %and3A_529 = arith.andi %get3A_526, %and3A_528 : vector<16xi32>
        %swap3A_530 = arith.constant 0 : i32
        %swap3A_531 = arith.index_cast %swap3A_530 : i32 to index
        %swap3A_532 = arith.constant 0 : index
        %swap3A_533 = tpu.vector_load %arg9[%swap3A_531, %swap3A_532] {strides = array<i32>} : memref<2x80xi32, #tpu.memory_space<vmem>>, vector<1x16xi32>,
        %swap3A_534 = vector.shape_cast %swap3A_533 : vector<1x16xi32> to vector<16xi32>
        %swap3A_535 = vector.shape_cast %and3A_529 : vector<16xi32> to vector<1x16xi32>
        tpu.vector_store %arg9[%swap3A_531, %swap3A_532], %swap3A_535 {strides = array<i32>} : memref<2x80xi32, #tpu.memory_space<vmem>>, vector<1x16xi32>,
        %shift_right_logical3A_536 = arith.constant 16 : i32
        %shift_right_logical3A_537 = vector.broadcast %shift_right_logical3A_536 : i32 to vector<16xi32>
        %shift_right_logical3A_538 = arith.shrui %get3A_526, %shift_right_logical3A_537 : vector<16xi32>
        %swap3A_539 = arith.constant 0 : i32
        %swap3A_540 = arith.index_cast %swap3A_539 : i32 to index
        %swap3A_541 = arith.constant 0 : index
        %swap3A_542 = tpu.vector_load %arg10[%swap3A_540, %swap3A_541] {strides = array<i32>} : memref<2x80xi32, #tpu.memory_space<vmem>>, vector<1x16xi32>,
        %swap3A_543 = vector.shape_cast %swap3A_542 : vector<1x16xi32> to vector<16xi32>
        %swap3A_544 = vector.shape_cast %shift_right_logical3A_538 : vector<16xi32> to vector<1x16xi32>
        tpu.vector_store %arg10[%swap3A_540, %swap3A_541], %swap3A_544 {strides = array<i32>} : memref<2x80xi32, #tpu.memory_space<vmem>>, vector<1x16xi32>,
        %get3A_545 = arith.index_cast %add3A_522 : i32 to index
        %get3A_546 = arith.constant 16 : index
        %get3A_547 = tpu.vector_load %arg8[%get3A_545, %get3A_546] {strides = array<i32>} : memref<125x80xi32, #tpu.memory_space<vmem>>, vector<1x16xi32>,
        %get3A_548 = vector.shape_cast %get3A_547 : vector<1x16xi32> to vector<16xi32>
        %and3A_549 = arith.constant 65535 : i32
        %and3A_550 = vector.broadcast %and3A_549 : i32 to vector<16xi32>
        %and3A_551 = arith.andi %get3A_548, %and3A_550 : vector<16xi32>
        %swap3A_552 = arith.constant 0 : i32
        %swap3A_553 = arith.index_cast %swap3A_552 : i32 to index
        %swap3A_554 = arith.constant 16 : index
        %swap3A_555 = tpu.vector_load %arg9[%swap3A_553, %swap3A_554] {strides = array<i32>} : memref<2x80xi32, #tpu.memory_space<vmem>>, vector<1x16xi32>,
        %swap3A_556 = vector.shape_cast %swap3A_555 : vector<1x16xi32> to vector<16xi32>
        %swap3A_557 = vector.shape_cast %and3A_551 : vector<16xi32> to vector<1x16xi32>
        tpu.vector_store %arg9[%swap3A_553, %swap3A_554], %swap3A_557 {strides = array<i32>} : memref<2x80xi32, #tpu.memory_space<vmem>>, vector<1x16xi32>,
        %shift_right_logical3A_558 = arith.constant 16 : i32
        %shift_right_logical3A_559 = vector.broadcast %shift_right_logical3A_558 : i32 to vector<16xi32>
        %shift_right_logical3A_560 = arith.shrui %get3A_548, %shift_right_logical3A_559 : vector<16xi32>
        %swap3A_561 = arith.constant 0 : i32
        %swap3A_562 = arith.index_cast %swap3A_561 : i32 to index
        %swap3A_563 = arith.constant 16 : index
        %swap3A_564 = tpu.vector_load %arg10[%swap3A_562, %swap3A_563] {strides = array<i32>} : memref<2x80xi32, #tpu.memory_space<vmem>>, vector<1x16xi32>,
        %swap3A_565 = vector.shape_cast %swap3A_564 : vector<1x16xi32> to vector<16xi32>
        %swap3A_566 = vector.shape_cast %shift_right_logical3A_560 : vector<16xi32> to vector<1x16xi32>
        tpu.vector_store %arg10[%swap3A_562, %swap3A_563], %swap3A_566 {strides = array<i32>} : memref<2x80xi32, #tpu.memory_space<vmem>>, vector<1x16xi32>,
        %get3A_567 = arith.index_cast %add3A_522 : i32 to index
        %get3A_568 = arith.constant 32 : index
        %get3A_569 = tpu.vector_load %arg8[%get3A_567, %get3A_568] {strides = array<i32>} : memref<125x80xi32, #tpu.memory_space<vmem>>, vector<1x16xi32>,
        %get3A_570 = vector.shape_cast %get3A_569 : vector<1x16xi32> to vector<16xi32>
        %and3A_571 = arith.constant 65535 : i32
        %and3A_572 = vector.broadcast %and3A_571 : i32 to vector<16xi32>
        %and3A_573 = arith.andi %get3A_570, %and3A_572 : vector<16xi32>
        %swap3A_574 = arith.constant 0 : i32
        %swap3A_575 = arith.index_cast %swap3A_574 : i32 to index
        %swap3A_576 = arith.constant 32 : index
        %swap3A_577 = tpu.vector_load %arg9[%swap3A_575, %swap3A_576] {strides = array<i32>} : memref<2x80xi32, #tpu.memory_space<vmem>>, vector<1x16xi32>,
        %swap3A_578 = vector.shape_cast %swap3A_577 : vector<1x16xi32> to vector<16xi32>
        %swap3A_579 = vector.shape_cast %and3A_573 : vector<16xi32> to vector<1x16xi32>
        tpu.vector_store %arg9[%swap3A_575, %swap3A_576], %swap3A_579 {strides = array<i32>} : memref<2x80xi32, #tpu.memory_space<vmem>>, vector<1x16xi32>,
        %shift_right_logical3A_580 = arith.constant 16 : i32
        %shift_right_logical3A_581 = vector.broadcast %shift_right_logical3A_580 : i32 to vector<16xi32>
        %shift_right_logical3A_582 = arith.shrui %get3A_570, %shift_right_logical3A_581 : vector<16xi32>
        %swap3A_583 = arith.constant 0 : i32
        %swap3A_584 = arith.index_cast %swap3A_583 : i32 to index
        %swap3A_585 = arith.constant 32 : index
        %swap3A_586 = tpu.vector_load %arg10[%swap3A_584, %swap3A_585] {strides = array<i32>} : memref<2x80xi32, #tpu.memory_space<vmem>>, vector<1x16xi32>,
        %swap3A_587 = vector.shape_cast %swap3A_586 : vector<1x16xi32> to vector<16xi32>
        %swap3A_588 = vector.shape_cast %shift_right_logical3A_582 : vector<16xi32> to vector<1x16xi32>
        tpu.vector_store %arg10[%swap3A_584, %swap3A_585], %swap3A_588 {strides = array<i32>} : memref<2x80xi32, #tpu.memory_space<vmem>>, vector<1x16xi32>,
        %get3A_589 = arith.index_cast %add3A_522 : i32 to index
        %get3A_590 = arith.constant 48 : index
        %get3A_591 = tpu.vector_load %arg8[%get3A_589, %get3A_590] {strides = array<i32>} : memref<125x80xi32, #tpu.memory_space<vmem>>, vector<1x16xi32>,
        %get3A_592 = vector.shape_cast %get3A_591 : vector<1x16xi32> to vector<16xi32>
        %and3A_593 = arith.constant 65535 : i32
        %and3A_594 = vector.broadcast %and3A_593 : i32 to vector<16xi32>
        %and3A_595 = arith.andi %get3A_592, %and3A_594 : vector<16xi32>
        %swap3A_596 = arith.constant 0 : i32
        %swap3A_597 = arith.index_cast %swap3A_596 : i32 to index
        %swap3A_598 = arith.constant 48 : index
        %swap3A_599 = tpu.vector_load %arg9[%swap3A_597, %swap3A_598] {strides = array<i32>} : memref<2x80xi32, #tpu.memory_space<vmem>>, vector<1x16xi32>,
        %swap3A_600 = vector.shape_cast %swap3A_599 : vector<1x16xi32> to vector<16xi32>
        %swap3A_601 = vector.shape_cast %and3A_595 : vector<16xi32> to vector<1x16xi32>
        tpu.vector_store %arg9[%swap3A_597, %swap3A_598], %swap3A_601 {strides = array<i32>} : memref<2x80xi32, #tpu.memory_space<vmem>>, vector<1x16xi32>,
        %shift_right_logical3A_602 = arith.constant 16 : i32
        %shift_right_logical3A_603 = vector.broadcast %shift_right_logical3A_602 : i32 to vector<16xi32>
        %shift_right_logical3A_604 = arith.shrui %get3A_592, %shift_right_logical3A_603 : vector<16xi32>
        %swap3A_605 = arith.constant 0 : i32
        %swap3A_606 = arith.index_cast %swap3A_605 : i32 to index
        %swap3A_607 = arith.constant 48 : index
        %swap3A_608 = tpu.vector_load %arg10[%swap3A_606, %swap3A_607] {strides = array<i32>} : memref<2x80xi32, #tpu.memory_space<vmem>>, vector<1x16xi32>,
        %swap3A_609 = vector.shape_cast %swap3A_608 : vector<1x16xi32> to vector<16xi32>
        %swap3A_610 = vector.shape_cast %shift_right_logical3A_604 : vector<16xi32> to vector<1x16xi32>
        tpu.vector_store %arg10[%swap3A_606, %swap3A_607], %swap3A_610 {strides = array<i32>} : memref<2x80xi32, #tpu.memory_space<vmem>>, vector<1x16xi32>,
        %get3A_611 = arith.index_cast %add3A_522 : i32 to index
        %get3A_612 = arith.constant 64 : index
        %get3A_613 = tpu.vector_load %arg8[%get3A_611, %get3A_612] {strides = array<i32>} : memref<125x80xi32, #tpu.memory_space<vmem>>, vector<1x16xi32>,
        %get3A_614 = vector.shape_cast %get3A_613 : vector<1x16xi32> to vector<16xi32>
        %and3A_615 = arith.constant 65535 : i32
        %and3A_616 = vector.broadcast %and3A_615 : i32 to vector<16xi32>
        %and3A_617 = arith.andi %get3A_614, %and3A_616 : vector<16xi32>
        %swap3A_618 = arith.constant 0 : i32
        %swap3A_619 = arith.index_cast %swap3A_618 : i32 to index
        %swap3A_620 = arith.constant 64 : index
        %swap3A_621 = tpu.vector_load %arg9[%swap3A_619, %swap3A_620] {strides = array<i32>} : memref<2x80xi32, #tpu.memory_space<vmem>>, vector<1x16xi32>,
        %swap3A_622 = vector.shape_cast %swap3A_621 : vector<1x16xi32> to vector<16xi32>
        %swap3A_623 = vector.shape_cast %and3A_617 : vector<16xi32> to vector<1x16xi32>
        tpu.vector_store %arg9[%swap3A_619, %swap3A_620], %swap3A_623 {strides = array<i32>} : memref<2x80xi32, #tpu.memory_space<vmem>>, vector<1x16xi32>,
        %shift_right_logical3A_624 = arith.constant 16 : i32
        %shift_right_logical3A_625 = vector.broadcast %shift_right_logical3A_624 : i32 to vector<16xi32>
        %shift_right_logical3A_626 = arith.shrui %get3A_614, %shift_right_logical3A_625 : vector<16xi32>
        %swap3A_627 = arith.constant 0 : i32
        %swap3A_628 = arith.index_cast %swap3A_627 : i32 to index
        %swap3A_629 = arith.constant 64 : index
        %swap3A_630 = tpu.vector_load %arg10[%swap3A_628, %swap3A_629] {strides = array<i32>} : memref<2x80xi32, #tpu.memory_space<vmem>>, vector<1x16xi32>,
        %swap3A_631 = vector.shape_cast %swap3A_630 : vector<1x16xi32> to vector<16xi32>
        %swap3A_632 = vector.shape_cast %shift_right_logical3A_626 : vector<16xi32> to vector<1x16xi32>
        tpu.vector_store %arg10[%swap3A_628, %swap3A_629], %swap3A_632 {strides = array<i32>} : memref<2x80xi32, #tpu.memory_space<vmem>>, vector<1x16xi32>,
        %dma_start3A_633 = arith.constant 0 : i32
        %dma_start3A_634 = arith.constant 0 : i32
        %dma_start3A_635 = tpu.memref_slice %arg9[%dma_start3A_633, %dma_start3A_634] : memref<2x80xi32, #tpu.memory_space<vmem>> -> memref<1x80xi32, #tpu.memory_space<vmem>>
        %dma_start3A_636 = tpu.memref_squeeze %dma_start3A_635 : memref<1x80xi32, #tpu.memory_space<vmem>> -> memref<80xi32, #tpu.memory_space<vmem>>
        %dma_start3A_637 = arith.constant 0 : i32
        %dma_start3A_638 = arith.constant 0 : i32
        %dma_start3A_639 = tpu.memref_slice %arg3[%dma_start3A_637, %dma_start3A_638] : memref<10000x128xf32, #tpu.memory_space<hbm>> -> memref<10000x128xf32, #tpu.memory_space<hbm>>
        tpu.enqueue_indirect_dma source(%dma_start3A_639 : memref<10000x128xf32, #tpu.memory_space<hbm>>) target(%arg11 : memref<80x128xf32, #tpu.memory_space<vmem>>) offsets(%dma_start3A_636 : memref<80xi32, #tpu.memory_space<vmem>>) semaphore(%arg17 : memref<!tpu.dma_semaphore, #tpu.memory_space<semaphore_mem>>)
      } else {
      }
      %add3A_503 = arith.constant 1 : i32
      %add3A_504 = arith.addi %mul3A_487, %add3A_503 : i32
      %dma_wait3A_505 = arith.constant 1 : i32
      %dma_wait3A_506 = arith.constant 0 : i32
      %dma_wait3A_507 = tpu.memref_slice %arg9[%dma_wait3A_505, %dma_wait3A_506] : memref<2x80xi32, #tpu.memory_space<vmem>> -> memref<1x80xi32, #tpu.memory_space<vmem>>
      %dma_wait3A_508 = tpu.memref_squeeze %dma_wait3A_507 : memref<1x80xi32, #tpu.memory_space<vmem>> -> memref<80xi32, #tpu.memory_space<vmem>>
      %dma_wait3A_509 = arith.constant 0 : i32
      %dma_wait3A_510 = arith.constant 0 : i32
      %dma_wait3A_511 = tpu.memref_slice %arg3[%dma_wait3A_509, %dma_wait3A_510] : memref<10000x128xf32, #tpu.memory_space<hbm>> -> memref<10000x128xf32, #tpu.memory_space<hbm>>
      tpu.wait_indirect_dma semaphore(%arg18 : memref<!tpu.dma_semaphore, #tpu.memory_space<semaphore_mem>>) src(%dma_wait3A_511 : memref<10000x128xf32, #tpu.memory_space<hbm>>) dst(%arg12 : memref<80x128xf32, #tpu.memory_space<vmem>>)
      %run_scoped3A_512 = arith.constant 1 : i32
      "tpu.region"() ({
        %run_scoped3A_521 = tpu.sem_alloc : memref<!tpu.dma_semaphore, #tpu.memory_space<semaphore_mem>>
        %dma_start3A_522 = arith.constant 0 : i32
        %dma_start3A_523 = tpu.memref_slice %arg10[%run_scoped3A_512, %dma_start3A_522] : memref<2x80xi32, #tpu.memory_space<vmem>> -> memref<1x80xi32, #tpu.memory_space<vmem>>
        %dma_start3A_524 = tpu.memref_squeeze %dma_start3A_523 : memref<1x80xi32, #tpu.memory_space<vmem>> -> memref<80xi32, #tpu.memory_space<vmem>>
        %dma_start3A_525 = arith.constant 0 : i32
        %dma_start3A_526 = arith.constant 0 : i32
        %dma_start3A_527 = tpu.memref_slice %arg15[%dma_start3A_525, %dma_start3A_526] : memref<10240x128xf32, #tpu.memory_space<vmem_shared>> -> memref<10240x128xf32, #tpu.memory_space<vmem_shared>>
        tpu.enqueue_indirect_dma source(%arg12 : memref<80x128xf32, #tpu.memory_space<vmem>>) target(%dma_start3A_527 : memref<10240x128xf32, #tpu.memory_space<vmem_shared>>) offsets(%dma_start3A_524 : memref<80xi32, #tpu.memory_space<vmem>>) semaphore(%run_scoped3A_521 : memref<!tpu.dma_semaphore, #tpu.memory_space<semaphore_mem>>) {add = true}
        %dma_wait3A_528 = arith.constant 0 : i32
        %dma_wait3A_529 = tpu.memref_slice %arg10[%run_scoped3A_512, %dma_wait3A_528] : memref<2x80xi32, #tpu.memory_space<vmem>> -> memref<1x80xi32, #tpu.memory_space<vmem>>
        %dma_wait3A_530 = tpu.memref_squeeze %dma_wait3A_529 : memref<1x80xi32, #tpu.memory_space<vmem>> -> memref<80xi32, #tpu.memory_space<vmem>>
        %dma_wait3A_531 = arith.constant 0 : i32
        %dma_wait3A_532 = arith.constant 0 : i32
        %dma_wait3A_533 = tpu.memref_slice %arg15[%dma_wait3A_531, %dma_wait3A_532] : memref<10240x128xf32, #tpu.memory_space<vmem_shared>> -> memref<10240x128xf32, #tpu.memory_space<vmem_shared>>
        tpu.wait_indirect_dma semaphore(%run_scoped3A_521 : memref<!tpu.dma_semaphore, #tpu.memory_space<semaphore_mem>>) src(%arg12 : memref<80x128xf32, #tpu.memory_space<vmem>>) dst(%dma_wait3A_533 : memref<10240x128xf32, #tpu.memory_space<vmem_shared>>)
        tpu.yield
      }) : () -> ()
      %run_scoped3A_513 = arith.constant 1 : i32
      "tpu.region"() ({
        %run_scoped3A_521 = tpu.sem_alloc : memref<!tpu.dma_semaphore, #tpu.memory_space<semaphore_mem>>
        %dma_start3A_522 = arith.constant 0 : i32
        %dma_start3A_523 = tpu.memref_slice %arg10[%run_scoped3A_513, %dma_start3A_522] : memref<2x80xi32, #tpu.memory_space<vmem>> -> memref<1x80xi32, #tpu.memory_space<vmem>>
        %dma_start3A_524 = tpu.memref_squeeze %dma_start3A_523 : memref<1x80xi32, #tpu.memory_space<vmem>> -> memref<80xi32, #tpu.memory_space<vmem>>
        %dma_start3A_525 = arith.constant 0 : i32
        %dma_start3A_526 = arith.constant 0 : i32
        %dma_start3A_527 = tpu.memref_slice %arg16[%dma_start3A_525, %dma_start3A_526] : memref<10240x16xf32, #tpu.memory_space<vmem_shared>> -> memref<10240x16xf32, #tpu.memory_space<vmem_shared>>
        tpu.enqueue_indirect_dma source(%arg13 : memref<80x16xf32, #tpu.memory_space<vmem>>) target(%dma_start3A_527 : memref<10240x16xf32, #tpu.memory_space<vmem_shared>>) offsets(%dma_start3A_524 : memref<80xi32, #tpu.memory_space<vmem>>) semaphore(%run_scoped3A_521 : memref<!tpu.dma_semaphore, #tpu.memory_space<semaphore_mem>>) {add = true}
        %dma_wait3A_528 = arith.constant 0 : i32
        %dma_wait3A_529 = tpu.memref_slice %arg10[%run_scoped3A_513, %dma_wait3A_528] : memref<2x80xi32, #tpu.memory_space<vmem>> -> memref<1x80xi32, #tpu.memory_space<vmem>>
        %dma_wait3A_530 = tpu.memref_squeeze %dma_wait3A_529 : memref<1x80xi32, #tpu.memory_space<vmem>> -> memref<80xi32, #tpu.memory_space<vmem>>
        %dma_wait3A_531 = arith.constant 0 : i32
        %dma_wait3A_532 = arith.constant 0 : i32
        %dma_wait3A_533 = tpu.memref_slice %arg16[%dma_wait3A_531, %dma_wait3A_532] : memref<10240x16xf32, #tpu.memory_space<vmem_shared>> -> memref<10240x16xf32, #tpu.memory_space<vmem_shared>>
        tpu.wait_indirect_dma semaphore(%run_scoped3A_521 : memref<!tpu.dma_semaphore, #tpu.memory_space<semaphore_mem>>) src(%arg13 : memref<80x16xf32, #tpu.memory_space<vmem>>) dst(%dma_wait3A_533 : memref<10240x16xf32, #tpu.memory_space<vmem_shared>>)
        tpu.yield
      }) : () -> ()
      %add3A_514 = arith.constant 2 : i32
      %add3A_515 = arith.addi %add3A_504, %add3A_514 : i32
      %lt3A_516 = arith.constant 125 : i32
      %lt3A_517 = arith.cmpi slt, %add3A_515, %lt3A_516 : i32
      %convert_element_type3A_518 = arith.extui %lt3A_517 : i1 to i32
      %cond3A_519 = arith.constant 0 : i32
      %cond3A_520 = arith.cmpi ne, %convert_element_type3A_518, %cond3A_519 : i32
      scf.if %cond3A_520 {
        %add3A_521 = arith.constant 2 : i32
        %add3A_522 = arith.addi %add3A_504, %add3A_521 : i32
        %get3A_523 = arith.index_cast %add3A_522 : i32 to index
        %get3A_524 = arith.constant 0 : index
        %get3A_525 = tpu.vector_load %arg8[%get3A_523, %get3A_524] {strides = array<i32>} : memref<125x80xi32, #tpu.memory_space<vmem>>, vector<1x16xi32>,
        %get3A_526 = vector.shape_cast %get3A_525 : vector<1x16xi32> to vector<16xi32>
        %and3A_527 = arith.constant 65535 : i32
        %and3A_528 = vector.broadcast %and3A_527 : i32 to vector<16xi32>
        %and3A_529 = arith.andi %get3A_526, %and3A_528 : vector<16xi32>
        %swap3A_530 = arith.constant 1 : i32
        %swap3A_531 = arith.index_cast %swap3A_530 : i32 to index
        %swap3A_532 = arith.constant 0 : index
        %swap3A_533 = tpu.vector_load %arg9[%swap3A_531, %swap3A_532] {strides = array<i32>} : memref<2x80xi32, #tpu.memory_space<vmem>>, vector<1x16xi32>,
        %swap3A_534 = vector.shape_cast %swap3A_533 : vector<1x16xi32> to vector<16xi32>
        %swap3A_535 = vector.shape_cast %and3A_529 : vector<16xi32> to vector<1x16xi32>
        tpu.vector_store %arg9[%swap3A_531, %swap3A_532], %swap3A_535 {strides = array<i32>} : memref<2x80xi32, #tpu.memory_space<vmem>>, vector<1x16xi32>,
        %shift_right_logical3A_536 = arith.constant 16 : i32
        %shift_right_logical3A_537 = vector.broadcast %shift_right_logical3A_536 : i32 to vector<16xi32>
        %shift_right_logical3A_538 = arith.shrui %get3A_526, %shift_right_logical3A_537 : vector<16xi32>
        %swap3A_539 = arith.constant 1 : i32
        %swap3A_540 = arith.index_cast %swap3A_539 : i32 to index
        %swap3A_541 = arith.constant 0 : index
        %swap3A_542 = tpu.vector_load %arg10[%swap3A_540, %swap3A_541] {strides = array<i32>} : memref<2x80xi32, #tpu.memory_space<vmem>>, vector<1x16xi32>,
        %swap3A_543 = vector.shape_cast %swap3A_542 : vector<1x16xi32> to vector<16xi32>
        %swap3A_544 = vector.shape_cast %shift_right_logical3A_538 : vector<16xi32> to vector<1x16xi32>
        tpu.vector_store %arg10[%swap3A_540, %swap3A_541], %swap3A_544 {strides = array<i32>} : memref<2x80xi32, #tpu.memory_space<vmem>>, vector<1x16xi32>,
        %get3A_545 = arith.index_cast %add3A_522 : i32 to index
        %get3A_546 = arith.constant 16 : index
        %get3A_547 = tpu.vector_load %arg8[%get3A_545, %get3A_546] {strides = array<i32>} : memref<125x80xi32, #tpu.memory_space<vmem>>, vector<1x16xi32>,
        %get3A_548 = vector.shape_cast %get3A_547 : vector<1x16xi32> to vector<16xi32>
        %and3A_549 = arith.constant 65535 : i32
        %and3A_550 = vector.broadcast %and3A_549 : i32 to vector<16xi32>
        %and3A_551 = arith.andi %get3A_548, %and3A_550 : vector<16xi32>
        %swap3A_552 = arith.constant 1 : i32
        %swap3A_553 = arith.index_cast %swap3A_552 : i32 to index
        %swap3A_554 = arith.constant 16 : index
        %swap3A_555 = tpu.vector_load %arg9[%swap3A_553, %swap3A_554] {strides = array<i32>} : memref<2x80xi32, #tpu.memory_space<vmem>>, vector<1x16xi32>,
        %swap3A_556 = vector.shape_cast %swap3A_555 : vector<1x16xi32> to vector<16xi32>
        %swap3A_557 = vector.shape_cast %and3A_551 : vector<16xi32> to vector<1x16xi32>
        tpu.vector_store %arg9[%swap3A_553, %swap3A_554], %swap3A_557 {strides = array<i32>} : memref<2x80xi32, #tpu.memory_space<vmem>>, vector<1x16xi32>,
        %shift_right_logical3A_558 = arith.constant 16 : i32
        %shift_right_logical3A_559 = vector.broadcast %shift_right_logical3A_558 : i32 to vector<16xi32>
        %shift_right_logical3A_560 = arith.shrui %get3A_548, %shift_right_logical3A_559 : vector<16xi32>
        %swap3A_561 = arith.constant 1 : i32
        %swap3A_562 = arith.index_cast %swap3A_561 : i32 to index
        %swap3A_563 = arith.constant 16 : index
        %swap3A_564 = tpu.vector_load %arg10[%swap3A_562, %swap3A_563] {strides = array<i32>} : memref<2x80xi32, #tpu.memory_space<vmem>>, vector<1x16xi32>,
        %swap3A_565 = vector.shape_cast %swap3A_564 : vector<1x16xi32> to vector<16xi32>
        %swap3A_566 = vector.shape_cast %shift_right_logical3A_560 : vector<16xi32> to vector<1x16xi32>
        tpu.vector_store %arg10[%swap3A_562, %swap3A_563], %swap3A_566 {strides = array<i32>} : memref<2x80xi32, #tpu.memory_space<vmem>>, vector<1x16xi32>,
        %get3A_567 = arith.index_cast %add3A_522 : i32 to index
        %get3A_568 = arith.constant 32 : index
        %get3A_569 = tpu.vector_load %arg8[%get3A_567, %get3A_568] {strides = array<i32>} : memref<125x80xi32, #tpu.memory_space<vmem>>, vector<1x16xi32>,
        %get3A_570 = vector.shape_cast %get3A_569 : vector<1x16xi32> to vector<16xi32>
        %and3A_571 = arith.constant 65535 : i32
        %and3A_572 = vector.broadcast %and3A_571 : i32 to vector<16xi32>
        %and3A_573 = arith.andi %get3A_570, %and3A_572 : vector<16xi32>
        %swap3A_574 = arith.constant 1 : i32
        %swap3A_575 = arith.index_cast %swap3A_574 : i32 to index
        %swap3A_576 = arith.constant 32 : index
        %swap3A_577 = tpu.vector_load %arg9[%swap3A_575, %swap3A_576] {strides = array<i32>} : memref<2x80xi32, #tpu.memory_space<vmem>>, vector<1x16xi32>,
        %swap3A_578 = vector.shape_cast %swap3A_577 : vector<1x16xi32> to vector<16xi32>
        %swap3A_579 = vector.shape_cast %and3A_573 : vector<16xi32> to vector<1x16xi32>
        tpu.vector_store %arg9[%swap3A_575, %swap3A_576], %swap3A_579 {strides = array<i32>} : memref<2x80xi32, #tpu.memory_space<vmem>>, vector<1x16xi32>,
        %shift_right_logical3A_580 = arith.constant 16 : i32
        %shift_right_logical3A_581 = vector.broadcast %shift_right_logical3A_580 : i32 to vector<16xi32>
        %shift_right_logical3A_582 = arith.shrui %get3A_570, %shift_right_logical3A_581 : vector<16xi32>
        %swap3A_583 = arith.constant 1 : i32
        %swap3A_584 = arith.index_cast %swap3A_583 : i32 to index
        %swap3A_585 = arith.constant 32 : index
        %swap3A_586 = tpu.vector_load %arg10[%swap3A_584, %swap3A_585] {strides = array<i32>} : memref<2x80xi32, #tpu.memory_space<vmem>>, vector<1x16xi32>,
        %swap3A_587 = vector.shape_cast %swap3A_586 : vector<1x16xi32> to vector<16xi32>
        %swap3A_588 = vector.shape_cast %shift_right_logical3A_582 : vector<16xi32> to vector<1x16xi32>
        tpu.vector_store %arg10[%swap3A_584, %swap3A_585], %swap3A_588 {strides = array<i32>} : memref<2x80xi32, #tpu.memory_space<vmem>>, vector<1x16xi32>,
        %get3A_589 = arith.index_cast %add3A_522 : i32 to index
        %get3A_590 = arith.constant 48 : index
        %get3A_591 = tpu.vector_load %arg8[%get3A_589, %get3A_590] {strides = array<i32>} : memref<125x80xi32, #tpu.memory_space<vmem>>, vector<1x16xi32>,
        %get3A_592 = vector.shape_cast %get3A_591 : vector<1x16xi32> to vector<16xi32>
        %and3A_593 = arith.constant 65535 : i32
        %and3A_594 = vector.broadcast %and3A_593 : i32 to vector<16xi32>
        %and3A_595 = arith.andi %get3A_592, %and3A_594 : vector<16xi32>
        %swap3A_596 = arith.constant 1 : i32
        %swap3A_597 = arith.index_cast %swap3A_596 : i32 to index
        %swap3A_598 = arith.constant 48 : index
        %swap3A_599 = tpu.vector_load %arg9[%swap3A_597, %swap3A_598] {strides = array<i32>} : memref<2x80xi32, #tpu.memory_space<vmem>>, vector<1x16xi32>,
        %swap3A_600 = vector.shape_cast %swap3A_599 : vector<1x16xi32> to vector<16xi32>
        %swap3A_601 = vector.shape_cast %and3A_595 : vector<16xi32> to vector<1x16xi32>
        tpu.vector_store %arg9[%swap3A_597, %swap3A_598], %swap3A_601 {strides = array<i32>} : memref<2x80xi32, #tpu.memory_space<vmem>>, vector<1x16xi32>,
        %shift_right_logical3A_602 = arith.constant 16 : i32
        %shift_right_logical3A_603 = vector.broadcast %shift_right_logical3A_602 : i32 to vector<16xi32>
        %shift_right_logical3A_604 = arith.shrui %get3A_592, %shift_right_logical3A_603 : vector<16xi32>
        %swap3A_605 = arith.constant 1 : i32
        %swap3A_606 = arith.index_cast %swap3A_605 : i32 to index
        %swap3A_607 = arith.constant 48 : index
        %swap3A_608 = tpu.vector_load %arg10[%swap3A_606, %swap3A_607] {strides = array<i32>} : memref<2x80xi32, #tpu.memory_space<vmem>>, vector<1x16xi32>,
        %swap3A_609 = vector.shape_cast %swap3A_608 : vector<1x16xi32> to vector<16xi32>
        %swap3A_610 = vector.shape_cast %shift_right_logical3A_604 : vector<16xi32> to vector<1x16xi32>
        tpu.vector_store %arg10[%swap3A_606, %swap3A_607], %swap3A_610 {strides = array<i32>} : memref<2x80xi32, #tpu.memory_space<vmem>>, vector<1x16xi32>,
        %get3A_611 = arith.index_cast %add3A_522 : i32 to index
        %get3A_612 = arith.constant 64 : index
        %get3A_613 = tpu.vector_load %arg8[%get3A_611, %get3A_612] {strides = array<i32>} : memref<125x80xi32, #tpu.memory_space<vmem>>, vector<1x16xi32>,
        %get3A_614 = vector.shape_cast %get3A_613 : vector<1x16xi32> to vector<16xi32>
        %and3A_615 = arith.constant 65535 : i32
        %and3A_616 = vector.broadcast %and3A_615 : i32 to vector<16xi32>
        %and3A_617 = arith.andi %get3A_614, %and3A_616 : vector<16xi32>
        %swap3A_618 = arith.constant 1 : i32
        %swap3A_619 = arith.index_cast %swap3A_618 : i32 to index
        %swap3A_620 = arith.constant 64 : index
        %swap3A_621 = tpu.vector_load %arg9[%swap3A_619, %swap3A_620] {strides = array<i32>} : memref<2x80xi32, #tpu.memory_space<vmem>>, vector<1x16xi32>,
        %swap3A_622 = vector.shape_cast %swap3A_621 : vector<1x16xi32> to vector<16xi32>
        %swap3A_623 = vector.shape_cast %and3A_617 : vector<16xi32> to vector<1x16xi32>
        tpu.vector_store %arg9[%swap3A_619, %swap3A_620], %swap3A_623 {strides = array<i32>} : memref<2x80xi32, #tpu.memory_space<vmem>>, vector<1x16xi32>,
        %shift_right_logical3A_624 = arith.constant 16 : i32
        %shift_right_logical3A_625 = vector.broadcast %shift_right_logical3A_624 : i32 to vector<16xi32>
        %shift_right_logical3A_626 = arith.shrui %get3A_614, %shift_right_logical3A_625 : vector<16xi32>
        %swap3A_627 = arith.constant 1 : i32
        %swap3A_628 = arith.index_cast %swap3A_627 : i32 to index
        %swap3A_629 = arith.constant 64 : index
        %swap3A_630 = tpu.vector_load %arg10[%swap3A_628, %swap3A_629] {strides = array<i32>} : memref<2x80xi32, #tpu.memory_space<vmem>>, vector<1x16xi32>,
        %swap3A_631 = vector.shape_cast %swap3A_630 : vector<1x16xi32> to vector<16xi32>
        %swap3A_632 = vector.shape_cast %shift_right_logical3A_626 : vector<16xi32> to vector<1x16xi32>
        tpu.vector_store %arg10[%swap3A_628, %swap3A_629], %swap3A_632 {strides = array<i32>} : memref<2x80xi32, #tpu.memory_space<vmem>>, vector<1x16xi32>,
        %dma_start3A_633 = arith.constant 1 : i32
        %dma_start3A_634 = arith.constant 0 : i32
        %dma_start3A_635 = tpu.memref_slice %arg9[%dma_start3A_633, %dma_start3A_634] : memref<2x80xi32, #tpu.memory_space<vmem>> -> memref<1x80xi32, #tpu.memory_space<vmem>>
        %dma_start3A_636 = tpu.memref_squeeze %dma_start3A_635 : memref<1x80xi32, #tpu.memory_space<vmem>> -> memref<80xi32, #tpu.memory_space<vmem>>
        %dma_start3A_637 = arith.constant 0 : i32
        %dma_start3A_638 = arith.constant 0 : i32
        %dma_start3A_639 = tpu.memref_slice %arg3[%dma_start3A_637, %dma_start3A_638] : memref<10000x128xf32, #tpu.memory_space<hbm>> -> memref<10000x128xf32, #tpu.memory_space<hbm>>
        tpu.enqueue_indirect_dma source(%dma_start3A_639 : memref<10000x128xf32, #tpu.memory_space<hbm>>) target(%arg12 : memref<80x128xf32, #tpu.memory_space<vmem>>) offsets(%dma_start3A_636 : memref<80xi32, #tpu.memory_space<vmem>>) semaphore(%arg18 : memref<!tpu.dma_semaphore, #tpu.memory_space<semaphore_mem>>)
      } else {
      }
    }
    %scan3A_468 = arith.constant 62 : i32
    %dma_wait3A_469 = arith.constant 0 : i32
    %dma_wait3A_470 = arith.constant 0 : i32
    %dma_wait3A_471 = tpu.memref_slice %arg9[%dma_wait3A_469, %dma_wait3A_470] : memref<2x80xi32, #tpu.memory_space<vmem>> -> memref<1x80xi32, #tpu.memory_space<vmem>>
    %dma_wait3A_472 = tpu.memref_squeeze %dma_wait3A_471 : memref<1x80xi32, #tpu.memory_space<vmem>> -> memref<80xi32, #tpu.memory_space<vmem>>
    %dma_wait3A_473 = arith.constant 0 : i32
    %dma_wait3A_474 = arith.constant 0 : i32
    %dma_wait3A_475 = tpu.memref_slice %arg3[%dma_wait3A_473, %dma_wait3A_474] : memref<10000x128xf32, #tpu.memory_space<hbm>> -> memref<10000x128xf32, #tpu.memory_space<hbm>>
    tpu.wait_indirect_dma semaphore(%arg17 : memref<!tpu.dma_semaphore, #tpu.memory_space<semaphore_mem>>) src(%dma_wait3A_475 : memref<10000x128xf32, #tpu.memory_space<hbm>>) dst(%arg11 : memref<80x128xf32, #tpu.memory_space<vmem>>)
    %run_scoped3A = arith.constant 0 : i32
    "tpu.region"() ({
      %run_scoped3A_485 = tpu.sem_alloc : memref<!tpu.dma_semaphore, #tpu.memory_space<semaphore_mem>>
      %dma_start3A_486 = arith.constant 0 : i32
      %dma_start3A_487 = tpu.memref_slice %arg10[%run_scoped3A, %dma_start3A_486] : memref<2x80xi32, #tpu.memory_space<vmem>> -> memref<1x80xi32, #tpu.memory_space<vmem>>
      %dma_start3A_488 = tpu.memref_squeeze %dma_start3A_487 : memref<1x80xi32, #tpu.memory_space<vmem>> -> memref<80xi32, #tpu.memory_space<vmem>>
      %dma_start3A_489 = arith.constant 0 : i32
      %dma_start3A_490 = arith.constant 0 : i32
      %dma_start3A_491 = tpu.memref_slice %arg15[%dma_start3A_489, %dma_start3A_490] : memref<10240x128xf32, #tpu.memory_space<vmem_shared>> -> memref<10240x128xf32, #tpu.memory_space<vmem_shared>>
      tpu.enqueue_indirect_dma source(%arg11 : memref<80x128xf32, #tpu.memory_space<vmem>>) target(%dma_start3A_491 : memref<10240x128xf32, #tpu.memory_space<vmem_shared>>) offsets(%dma_start3A_488 : memref<80xi32, #tpu.memory_space<vmem>>) semaphore(%run_scoped3A_485 : memref<!tpu.dma_semaphore, #tpu.memory_space<semaphore_mem>>) {add = true}
      %dma_wait3A_492 = arith.constant 0 : i32
      %dma_wait3A_493 = tpu.memref_slice %arg10[%run_scoped3A, %dma_wait3A_492] : memref<2x80xi32, #tpu.memory_space<vmem>> -> memref<1x80xi32, #tpu.memory_space<vmem>>
      %dma_wait3A_494 = tpu.memref_squeeze %dma_wait3A_493 : memref<1x80xi32, #tpu.memory_space<vmem>> -> memref<80xi32, #tpu.memory_space<vmem>>
      %dma_wait3A_495 = arith.constant 0 : i32
      %dma_wait3A_496 = arith.constant 0 : i32
      %dma_wait3A_497 = tpu.memref_slice %arg15[%dma_wait3A_495, %dma_wait3A_496] : memref<10240x128xf32, #tpu.memory_space<vmem_shared>> -> memref<10240x128xf32, #tpu.memory_space<vmem_shared>>
      tpu.wait_indirect_dma semaphore(%run_scoped3A_485 : memref<!tpu.dma_semaphore, #tpu.memory_space<semaphore_mem>>) src(%arg11 : memref<80x128xf32, #tpu.memory_space<vmem>>) dst(%dma_wait3A_497 : memref<10240x128xf32, #tpu.memory_space<vmem_shared>>)
      tpu.yield
    }) : () -> ()
    %run_scoped3A_476 = arith.constant 0 : i32
    "tpu.region"() ({
      %run_scoped3A_485 = tpu.sem_alloc : memref<!tpu.dma_semaphore, #tpu.memory_space<semaphore_mem>>
      %dma_start3A_486 = arith.constant 0 : i32
      %dma_start3A_487 = tpu.memref_slice %arg10[%run_scoped3A_476, %dma_start3A_486] : memref<2x80xi32, #tpu.memory_space<vmem>> -> memref<1x80xi32, #tpu.memory_space<vmem>>
      %dma_start3A_488 = tpu.memref_squeeze %dma_start3A_487 : memref<1x80xi32, #tpu.memory_space<vmem>> -> memref<80xi32, #tpu.memory_space<vmem>>
      %dma_start3A_489 = arith.constant 0 : i32
      %dma_start3A_490 = arith.constant 0 : i32
      %dma_start3A_491 = tpu.memref_slice %arg16[%dma_start3A_489, %dma_start3A_490] : memref<10240x16xf32, #tpu.memory_space<vmem_shared>> -> memref<10240x16xf32, #tpu.memory_space<vmem_shared>>
      tpu.enqueue_indirect_dma source(%arg13 : memref<80x16xf32, #tpu.memory_space<vmem>>) target(%dma_start3A_491 : memref<10240x16xf32, #tpu.memory_space<vmem_shared>>) offsets(%dma_start3A_488 : memref<80xi32, #tpu.memory_space<vmem>>) semaphore(%run_scoped3A_485 : memref<!tpu.dma_semaphore, #tpu.memory_space<semaphore_mem>>) {add = true}
      %dma_wait3A_492 = arith.constant 0 : i32
      %dma_wait3A_493 = tpu.memref_slice %arg10[%run_scoped3A_476, %dma_wait3A_492] : memref<2x80xi32, #tpu.memory_space<vmem>> -> memref<1x80xi32, #tpu.memory_space<vmem>>
      %dma_wait3A_494 = tpu.memref_squeeze %dma_wait3A_493 : memref<1x80xi32, #tpu.memory_space<vmem>> -> memref<80xi32, #tpu.memory_space<vmem>>
      %dma_wait3A_495 = arith.constant 0 : i32
      %dma_wait3A_496 = arith.constant 0 : i32
      %dma_wait3A_497 = tpu.memref_slice %arg16[%dma_wait3A_495, %dma_wait3A_496] : memref<10240x16xf32, #tpu.memory_space<vmem_shared>> -> memref<10240x16xf32, #tpu.memory_space<vmem_shared>>
      tpu.wait_indirect_dma semaphore(%run_scoped3A_485 : memref<!tpu.dma_semaphore, #tpu.memory_space<semaphore_mem>>) src(%arg13 : memref<80x16xf32, #tpu.memory_space<vmem>>) dst(%dma_wait3A_497 : memref<10240x16xf32, #tpu.memory_space<vmem_shared>>)
      tpu.yield
    }) : () -> ()
    %barrier3A_477 = arith.constant 0 : index
    tpu.barrier barrier_id(%barrier3A_477)
    %eq3A = arith.constant 0 : i32
    %eq3A_478 = arith.cmpi eq, %arg0, %eq3A : i32
    %convert_element_type3A = arith.extui %eq3A_478 : i1 to i32
    %cond3A = arith.constant 0 : i32
    %cond3A_479 = arith.cmpi ne, %convert_element_type3A, %cond3A : i32
    scf.if %cond3A_479 {
      %dma_start3A_485 = arith.constant 0 : i32
      %dma_start3A_486 = tpu.memref_slice %arg4[%multiple_of3A, %dma_start3A_485] : memref<10240x128xf32, #tpu.memory_space<hbm>> -> memref<640x128xf32, #tpu.memory_space<hbm>>
      %dma_start3A_487 = arith.constant 0 : i32
      %dma_start3A_488 = tpu.memref_slice %arg15[%multiple_of3A, %dma_start3A_487] : memref<10240x128xf32, #tpu.memory_space<vmem_shared>> -> memref<640x128xf32, #tpu.memory_space<vmem_shared>>
      tpu.enqueue_dma source(%dma_start3A_488 : memref<640x128xf32, #tpu.memory_space<vmem_shared>>) target(%dma_start3A_486 : memref<640x128xf32, #tpu.memory_space<hbm>>) target_semaphore(%arg17 : memref<!tpu.dma_semaphore, #tpu.memory_space<semaphore_mem>>)
      %dma_start3A_489 = arith.constant 0 : i32
      %dma_start3A_490 = tpu.memref_slice %arg6[%multiple_of3A, %dma_start3A_489] : memref<10240x16xf32, #tpu.memory_space<hbm>> -> memref<640x16xf32, #tpu.memory_space<hbm>>
      %dma_start3A_491 = arith.constant 0 : i32
      %dma_start3A_492 = tpu.memref_slice %arg16[%multiple_of3A, %dma_start3A_491] : memref<10240x16xf32, #tpu.memory_space<vmem_shared>> -> memref<640x16xf32, #tpu.memory_space<vmem_shared>>
      tpu.enqueue_dma source(%dma_start3A_492 : memref<640x16xf32, #tpu.memory_space<vmem_shared>>) target(%dma_start3A_490 : memref<640x16xf32, #tpu.memory_space<hbm>>) target_semaphore(%arg18 : memref<!tpu.dma_semaphore, #tpu.memory_space<semaphore_mem>>)
      %dma_wait3A_493 = arith.constant 0 : i32
      %dma_wait3A_494 = tpu.memref_slice %arg4[%multiple_of3A, %dma_wait3A_493] : memref<10240x128xf32, #tpu.memory_space<hbm>> -> memref<640x128xf32, #tpu.memory_space<hbm>>
      %dma_wait3A_495 = arith.constant 0 : i32
      %dma_wait3A_496 = tpu.memref_slice %arg15[%multiple_of3A, %dma_wait3A_495] : memref<10240x128xf32, #tpu.memory_space<vmem_shared>> -> memref<640x128xf32, #tpu.memory_space<vmem_shared>>
      tpu.wait_dma2 semaphore(%arg17 : memref<!tpu.dma_semaphore, #tpu.memory_space<semaphore_mem>>) src(%dma_wait3A_496 : memref<640x128xf32, #tpu.memory_space<vmem_shared>>) dst(%dma_wait3A_494 : memref<640x128xf32, #tpu.memory_space<hbm>>)
      %dma_wait3A_497 = arith.constant 0 : i32
      %dma_wait3A_498 = tpu.memref_slice %arg6[%multiple_of3A, %dma_wait3A_497] : memref<10240x16xf32, #tpu.memory_space<hbm>> -> memref<640x16xf32, #tpu.memory_space<hbm>>
      %dma_wait3A_499 = arith.constant 0 : i32
      %dma_wait3A_500 = tpu.memref_slice %arg16[%multiple_of3A, %dma_wait3A_499] : memref<10240x16xf32, #tpu.memory_space<vmem_shared>> -> memref<640x16xf32, #tpu.memory_space<vmem_shared>>
      tpu.wait_dma2 semaphore(%arg18 : memref<!tpu.dma_semaphore, #tpu.memory_space<semaphore_mem>>) src(%dma_wait3A_500 : memref<640x16xf32, #tpu.memory_space<vmem_shared>>) dst(%dma_wait3A_498 : memref<640x16xf32, #tpu.memory_space<hbm>>)
    } else {
    }
    %eq3A_480 = arith.constant 1 : i32
    %eq3A_481 = arith.cmpi eq, %arg0, %eq3A_480 : i32
    %convert_element_type3A_482 = arith.extui %eq3A_481 : i1 to i32
    %cond3A_483 = arith.constant 0 : i32
    %cond3A_484 = arith.cmpi ne, %convert_element_type3A_482, %cond3A_483 : i32
    scf.if %cond3A_484 {
      %dma_start3A_485 = arith.constant 0 : i32
      %dma_start3A_486 = tpu.memref_slice %arg5[%multiple_of3A, %dma_start3A_485] : memref<10240x128xf32, #tpu.memory_space<hbm>> -> memref<640x128xf32, #tpu.memory_space<hbm>>
      %dma_start3A_487 = arith.constant 0 : i32
      %dma_start3A_488 = tpu.memref_slice %arg15[%multiple_of3A, %dma_start3A_487] : memref<10240x128xf32, #tpu.memory_space<vmem_shared>> -> memref<640x128xf32, #tpu.memory_space<vmem_shared>>
      tpu.enqueue_dma source(%dma_start3A_488 : memref<640x128xf32, #tpu.memory_space<vmem_shared>>) target(%dma_start3A_486 : memref<640x128xf32, #tpu.memory_space<hbm>>) target_semaphore(%arg17 : memref<!tpu.dma_semaphore, #tpu.memory_space<semaphore_mem>>)
      %dma_start3A_489 = arith.constant 0 : i32
      %dma_start3A_490 = tpu.memref_slice %arg7[%multiple_of3A, %dma_start3A_489] : memref<10240x16xf32, #tpu.memory_space<hbm>> -> memref<640x16xf32, #tpu.memory_space<hbm>>
      %dma_start3A_491 = arith.constant 0 : i32
      %dma_start3A_492 = tpu.memref_slice %arg16[%multiple_of3A, %dma_start3A_491] : memref<10240x16xf32, #tpu.memory_space<vmem_shared>> -> memref<640x16xf32, #tpu.memory_space<vmem_shared>>
      tpu.enqueue_dma source(%dma_start3A_492 : memref<640x16xf32, #tpu.memory_space<vmem_shared>>) target(%dma_start3A_490 : memref<640x16xf32, #tpu.memory_space<hbm>>) target_semaphore(%arg18 : memref<!tpu.dma_semaphore, #tpu.memory_space<semaphore_mem>>)
      %dma_wait3A_493 = arith.constant 0 : i32
      %dma_wait3A_494 = tpu.memref_slice %arg5[%multiple_of3A, %dma_wait3A_493] : memref<10240x128xf32, #tpu.memory_space<hbm>> -> memref<640x128xf32, #tpu.memory_space<hbm>>
      %dma_wait3A_495 = arith.constant 0 : i32
      %dma_wait3A_496 = tpu.memref_slice %arg15[%multiple_of3A, %dma_wait3A_495] : memref<10240x128xf32, #tpu.memory_space<vmem_shared>> -> memref<640x128xf32, #tpu.memory_space<vmem_shared>>
      tpu.wait_dma2 semaphore(%arg17 : memref<!tpu.dma_semaphore, #tpu.memory_space<semaphore_mem>>) src(%dma_wait3A_496 : memref<640x128xf32, #tpu.memory_space<vmem_shared>>) dst(%dma_wait3A_494 : memref<640x128xf32, #tpu.memory_space<hbm>>)
      %dma_wait3A_497 = arith.constant 0 : i32
      %dma_wait3A_498 = tpu.memref_slice %arg7[%multiple_of3A, %dma_wait3A_497] : memref<10240x16xf32, #tpu.memory_space<hbm>> -> memref<640x16xf32, #tpu.memory_space<hbm>>
      %dma_wait3A_499 = arith.constant 0 : i32
      %dma_wait3A_500 = tpu.memref_slice %arg16[%multiple_of3A, %dma_wait3A_499] : memref<10240x16xf32, #tpu.memory_space<vmem_shared>> -> memref<640x16xf32, #tpu.memory_space<vmem_shared>>
      tpu.wait_dma2 semaphore(%arg18 : memref<!tpu.dma_semaphore, #tpu.memory_space<semaphore_mem>>) src(%dma_wait3A_500 : memref<640x16xf32, #tpu.memory_space<vmem_shared>>) dst(%dma_wait3A_498 : memref<640x16xf32, #tpu.memory_space<hbm>>)
    } else {
    }
    return
  }
}

module attributes {stable_mosaic.version = 14 : i64} {
  func.func @_pack_body(%arg0: i32, %arg1: memref<1x2500x128xi32, #tpu.memory_space<vmem>>, %arg2: memref<1x2500x128xi32, #tpu.memory_space<vmem>>, %arg3: memref<2500x128xi32, #tpu.memory_space<vmem>>) attributes {dimension_semantics = [#tpu.dimension_semantics<arbitrary>], iteration_bounds = array<i64: 1>, scalar_prefetch = 0 : i64, scratch_operands = 0 : i64, tpu.core_type = #tpu.core_type<tc>, window_params = [{transform_indices = @transform_0, window_bounds = array<i64: 1, 2500, 128>}, {transform_indices = @transform_1, window_bounds = array<i64: 1, 2500, 128>}, {pipeline_mode = #tpu.pipeline_mode<synchronous>, transform_indices = @transform_2, window_bounds = array<i64: 2500, 128>}]} {
    %get3A = arith.constant 0 : index
    %get3A_0 = arith.constant 0 : index
    %get3A_1 = arith.constant 0 : index
    %get3A_2 = vector.load %arg2[%get3A, %get3A_0, %get3A_1] : memref<1x2500x128xi32, #tpu.memory_space<vmem>>, vector<1x2500x128xi32>
    %get3A_3 = vector.shape_cast %get3A_2 : vector<1x2500x128xi32> to vector<2500x128xi32>
    %shift_left3A = arith.constant 16 : i32
    %shift_left3A_4 = vector.broadcast %shift_left3A : i32 to vector<2500x128xi32>
    %shift_left3A_5 = arith.shli %get3A_3, %shift_left3A_4 : vector<2500x128xi32>
    %get3A_6 = arith.constant 0 : index
    %get3A_7 = arith.constant 0 : index
    %get3A_8 = arith.constant 0 : index
    %get3A_9 = vector.load %arg1[%get3A_6, %get3A_7, %get3A_8] : memref<1x2500x128xi32, #tpu.memory_space<vmem>>, vector<1x2500x128xi32>
    %get3A_10 = vector.shape_cast %get3A_9 : vector<1x2500x128xi32> to vector<2500x128xi32>
    %or3A = arith.ori %shift_left3A_5, %get3A_10 : vector<2500x128xi32>
    %swap3A = arith.constant 0 : index
    %swap3A_11 = arith.constant 0 : index
    %swap3A_12 = vector.load %arg3[%swap3A, %swap3A_11] : memref<2500x128xi32, #tpu.memory_space<vmem>>, vector<2500x128xi32>
    tpu.vector_store %arg3[%swap3A, %swap3A_11], %or3A {strides = array<i32>} : memref<2500x128xi32, #tpu.memory_space<vmem>>, vector<2500x128xi32>,
    return
  }
  func.func @transform_0(%arg0: i32) -> (i32, i32, i32) {
    %c0_i32 = arith.constant 0 : i32
    %c0_i32_0 = arith.constant 0 : i32
    %c0_i32_1 = arith.constant 0 : i32
    %c0_i32_2 = arith.constant 0 : i32
    return %c0_i32, %c0_i32_0, %c0_i32_1 : i32, i32, i32
  }
  func.func @transform_1(%arg0: i32) -> (i32, i32, i32) {
    %c1_i32 = arith.constant 1 : i32
    %c0_i32 = arith.constant 0 : i32
    %c0_i32_0 = arith.constant 0 : i32
    %c0_i32_1 = arith.constant 0 : i32
    return %c1_i32, %c0_i32, %c0_i32_0 : i32, i32, i32
  }
  func.func @transform_2(%arg0: i32) -> (i32, i32) {
    %c0_i32 = arith.constant 0 : i32
    %c0_i32_0 = arith.constant 0 : i32
    %c0_i32_1 = arith.constant 0 : i32
    return %c0_i32, %c0_i32_0 : i32, i32
  }
}

module attributes {stable_mosaic.version = 14 : i64} {
  func.func @_tc_body(%arg0: memref<10000x128xf32, #tpu.memory_space<vmem>>, %arg1: memref<10240x128xf32, #tpu.memory_space<vmem>>, %arg2: memref<10240x128xf32, #tpu.memory_space<vmem>>, %arg3: memref<10240x16xf32, #tpu.memory_space<hbm>>, %arg4: memref<10240x16xf32, #tpu.memory_space<hbm>>, %arg5: memref<128x128xf32, #tpu.memory_space<vmem>>, %arg6: memref<128x128xf32, #tpu.memory_space<vmem>>, %arg7: memref<128x16xf32, #tpu.memory_space<vmem>>, %arg8: memref<10000x16xf32, #tpu.memory_space<hbm>>, %arg9: memref<10240x16xf32, #tpu.memory_space<vmem>>, %arg10: memref<10240x16xf32, #tpu.memory_space<vmem>>, %arg11: memref<10000x16xf32, #tpu.memory_space<vmem>>, %arg12: memref<!tpu.dma_semaphore, #tpu.memory_space<semaphore_mem>>) attributes {dimension_semantics = [], scalar_prefetch = 0 : i64, scratch_operands = 4 : i64, tpu.core_type = #tpu.core_type<tc>} {
    tpu.enqueue_dma source(%arg3 : memref<10240x16xf32, #tpu.memory_space<hbm>>) target(%arg9 : memref<10240x16xf32, #tpu.memory_space<vmem>>) target_semaphore(%arg12 : memref<!tpu.dma_semaphore, #tpu.memory_space<semaphore_mem>>)
    tpu.wait_dma2 semaphore(%arg12 : memref<!tpu.dma_semaphore, #tpu.memory_space<semaphore_mem>>) src(%arg3 : memref<10240x16xf32, #tpu.memory_space<hbm>>) dst(%arg9 : memref<10240x16xf32, #tpu.memory_space<vmem>>)
    tpu.enqueue_dma source(%arg4 : memref<10240x16xf32, #tpu.memory_space<hbm>>) target(%arg10 : memref<10240x16xf32, #tpu.memory_space<vmem>>) target_semaphore(%arg12 : memref<!tpu.dma_semaphore, #tpu.memory_space<semaphore_mem>>)
    tpu.wait_dma2 semaphore(%arg12 : memref<!tpu.dma_semaphore, #tpu.memory_space<semaphore_mem>>) src(%arg4 : memref<10240x16xf32, #tpu.memory_space<hbm>>) dst(%arg10 : memref<10240x16xf32, #tpu.memory_space<vmem>>)
    %get3A = arith.constant 0 : index
    %get3A_0 = arith.constant 0 : index
    %get3A_1 = vector.load %arg0[%get3A, %get3A_0] : memref<10000x128xf32, #tpu.memory_space<vmem>>, vector<10000x128xf32>
    %get3A_2 = arith.constant 0 : index
    %get3A_3 = arith.constant 0 : index
    %get3A_4 = vector.load %arg1[%get3A_2, %get3A_3] : memref<10240x128xf32, #tpu.memory_space<vmem>>, vector<10240x128xf32>
    %slice3A = vector.extract_strided_slice %get3A_4 {offsets = [0, 0], sizes = [10000, 128], strides = [1, 1]} : vector<10240x128xf32> to vector<10000x128xf32>
    %get3A_5 = arith.constant 0 : index
    %get3A_6 = arith.constant 0 : index
    %get3A_7 = vector.load %arg2[%get3A_5, %get3A_6] : memref<10240x128xf32, #tpu.memory_space<vmem>>, vector<10240x128xf32>
    %slice3A_8 = vector.extract_strided_slice %get3A_7 {offsets = [0, 0], sizes = [10000, 128], strides = [1, 1]} : vector<10240x128xf32> to vector<10000x128xf32>
    %add3A = arith.addf %slice3A, %slice3A_8 : vector<10000x128xf32>
    %get3A_9 = arith.constant 0 : index
    %get3A_10 = arith.constant 0 : index
    %get3A_11 = vector.load %arg9[%get3A_9, %get3A_10] : memref<10240x16xf32, #tpu.memory_space<vmem>>, vector<10240x16xf32>
    %slice3A_12 = vector.extract_strided_slice %get3A_11 {offsets = [0, 0], sizes = [10000, 1], strides = [1, 1]} : vector<10240x16xf32> to vector<10000x1xf32>
    %get3A_13 = arith.constant 0 : index
    %get3A_14 = arith.constant 0 : index
    %get3A_15 = vector.load %arg10[%get3A_13, %get3A_14] : memref<10240x16xf32, #tpu.memory_space<vmem>>, vector<10240x16xf32>
    %slice3A_16 = vector.extract_strided_slice %get3A_15 {offsets = [0, 0], sizes = [10000, 1], strides = [1, 1]} : vector<10240x16xf32> to vector<10000x1xf32>
    %add3A_17 = arith.addf %slice3A_12, %slice3A_16 : vector<10000x1xf32>
    %max3A = arith.constant 1.000000e+00 : f32
    %max3A_18 = vector.broadcast %max3A : f32 to vector<10000x1xf32>
    %max3A_19 = arith.maximumf %add3A_17, %max3A_18 : vector<10000x1xf32>
    %div3A = vector.broadcast %max3A_19 : vector<10000x1xf32> to vector<10000x128xf32>
    %div3A_20 = arith.divf %add3A, %div3A : vector<10000x128xf32>
    %get3A_21 = arith.constant 0 : index
    %get3A_22 = arith.constant 0 : index
    %get3A_23 = vector.load %arg5[%get3A_21, %get3A_22] : memref<128x128xf32, #tpu.memory_space<vmem>>, vector<128x128xf32>
    %dot_general3A = arith.constant dense<0.000000e+00> : vector<10000x128xf32>
    %dot_general3A_24 = tpu.matmul %get3A_1, %get3A_23, %dot_general3A {dimension_numbers = #tpu.dot_dimension_numbers<[1], [0], [0], [1], [0, 0, 1, 1], [], []>, transpose_lhs_hint = false} : vector<10000x128xf32>, vector<128x128xf32>, vector<10000x128xf32> -> vector<10000x128xf32>
    %get3A_25 = arith.constant 0 : index
    %get3A_26 = arith.constant 0 : index
    %get3A_27 = vector.load %arg6[%get3A_25, %get3A_26] : memref<128x128xf32, #tpu.memory_space<vmem>>, vector<128x128xf32>
    %dot_general3A_28 = arith.constant dense<0.000000e+00> : vector<10000x128xf32>
    %dot_general3A_29 = tpu.matmul %div3A_20, %get3A_27, %dot_general3A_28 {dimension_numbers = #tpu.dot_dimension_numbers<[1], [0], [0], [1], [0, 0, 1, 1], [], []>, transpose_lhs_hint = false} : vector<10000x128xf32>, vector<128x128xf32>, vector<10000x128xf32> -> vector<10000x128xf32>
    %add3A_30 = arith.addf %dot_general3A_24, %dot_general3A_29 : vector<10000x128xf32>
    %max3A_31 = arith.constant 0.000000e+00 : f32
    %max3A_32 = vector.broadcast %max3A_31 : f32 to vector<10000x128xf32>
    %max3A_33 = arith.maximumf %add3A_30, %max3A_32 : vector<10000x128xf32>
    %get3A_34 = arith.constant 0 : index
    %get3A_35 = arith.constant 0 : index
    %get3A_36 = vector.load %arg7[%get3A_34, %get3A_35] : memref<128x16xf32, #tpu.memory_space<vmem>>, vector<128x16xf32>
    %dot_general3A_37 = arith.constant dense<0.000000e+00> : vector<10000x16xf32>
    %dot_general3A_38 = tpu.matmul %max3A_33, %get3A_36, %dot_general3A_37 {dimension_numbers = #tpu.dot_dimension_numbers<[1], [0], [0], [1], [0, 0, 1, 1], [], []>, transpose_lhs_hint = false} : vector<10000x128xf32>, vector<128x16xf32>, vector<10000x16xf32> -> vector<10000x16xf32>
    %reduce_max3A = arith.constant dense<0xFF800000> : vector<10000xf32>
    %reduce_max3A_39 = vector.multi_reduction <maximumf>, %dot_general3A_38, %reduce_max3A [1] : vector<10000x16xf32> to vector<10000xf32>
    %broadcast_in_dim3A = vector.shape_cast %reduce_max3A_39 : vector<10000xf32> to vector<10000x1xf32>
    %sub3A = vector.broadcast %broadcast_in_dim3A : vector<10000x1xf32> to vector<10000x16xf32>
    %sub3A_40 = arith.subf %dot_general3A_38, %sub3A : vector<10000x16xf32>
    %exp3A = math.exp %sub3A_40 : vector<10000x16xf32>
    %reduce_sum3A = arith.constant dense<0.000000e+00> : vector<10000xf32>
    %reduce_sum3A_41 = vector.multi_reduction <add>, %exp3A, %reduce_sum3A [1] : vector<10000x16xf32> to vector<10000xf32>
    %broadcast_in_dim3A_42 = vector.shape_cast %reduce_sum3A_41 : vector<10000xf32> to vector<10000x1xf32>
    %log3A = math.log %broadcast_in_dim3A_42 : vector<10000x1xf32>
    %sub3A_43 = vector.broadcast %broadcast_in_dim3A : vector<10000x1xf32> to vector<10000x16xf32>
    %sub3A_44 = arith.subf %dot_general3A_38, %sub3A_43 : vector<10000x16xf32>
    %sub3A_45 = vector.broadcast %log3A : vector<10000x1xf32> to vector<10000x16xf32>
    %sub3A_46 = arith.subf %sub3A_44, %sub3A_45 : vector<10000x16xf32>
    %swap3A = arith.constant 0 : index
    %swap3A_47 = arith.constant 0 : index
    %swap3A_48 = vector.load %arg11[%swap3A, %swap3A_47] : memref<10000x16xf32, #tpu.memory_space<vmem>>, vector<10000x16xf32>
    tpu.vector_store %arg11[%swap3A, %swap3A_47], %sub3A_46 {strides = array<i32>} : memref<10000x16xf32, #tpu.memory_space<vmem>>, vector<10000x16xf32>,
    tpu.enqueue_dma source(%arg11 : memref<10000x16xf32, #tpu.memory_space<vmem>>) target(%arg8 : memref<10000x16xf32, #tpu.memory_space<hbm>>) target_semaphore(%arg12 : memref<!tpu.dma_semaphore, #tpu.memory_space<semaphore_mem>>)
    tpu.wait_dma2 semaphore(%arg12 : memref<!tpu.dma_semaphore, #tpu.memory_space<semaphore_mem>>) src(%arg11 : memref<10000x16xf32, #tpu.memory_space<vmem>>) dst(%arg8 : memref<10000x16xf32, #tpu.memory_space<hbm>>)
    return
  }
}

</mosaic_0001>

<sc_bundles>
// kernel: kernel.5.cloned.1.call-start
scs
__scs_entry_jumppad:
0x0: {  	(pc) =	sbr.rel $0x88, $3  }
0x1: {  	(tag) =	ssettag $0x0;
	lr =	simm.s32 $0x1  }
0x2: {  	[smem:$0x3F9D] =	sst lr;
	_ =	strace $0xD0000000  }
0x3: {  	_ = 	snop  }
0x4: {  	_ = 	snop  }
0x5: {  	_ = 	snop  }
0x6: {  	_ = 	snop  }
0x7: {  	_ = 	snop  }
__scs_overlays_trampoline_lowered:
0x8: {  	[smem:$0x3FAC] =	sst s0  }
0x9: {  	[smem:$0x3FAD] =	sst s1  }
0xa: {  	[smem:$0x3FAE] =	sst s2  }
0xb: {  	[smem:$0x3FAF] =	sst s3  }
0xc: {  	[smem:$0x3FB0] =	sst s4  }
0xd: {  	[smem:$0x3FB1] =	sst s5  }
0xe: {  	[smem:$0x3FB2] =	sst s6  }
0xf: {  	[smem:$0x3FB3] =	sst s7  }
0x10: {  	[smem:$0x3FB4] =	sst s8  }
0x11: {  	[smem:$0x3FB5] =	sst s9;
	s0 =	simm.s32 @!p0 $0x0  }
0x12: {  	s1 =	sld [smem:$0x3F9B];
	s0 =	simm.s32 @p0 $0x1  }
0x13: {  	[smem:$0x3FB6] =	sst s0;
	s0 =	simm.s32 @!p1 $0x0  }
0x14: {  	s2 =	sld [smem:$0x3F9A];
	s0 =	simm.s32 @p1 $0x1  }
0x15: {  	[smem:$0x3FB7] =	sst s0;
	s0 =	simm.s32 @!p2 $0x0  }
0x16: {  	s3 =	sld [smem:$0x3FDB];
	s0 =	simm.s32 @p2 $0x1  }
0x17: {  	s4 =	simm.s32 $0x1BF5;
	[smem:$0x3FB9] =	sst s0  }
0x18: {  	s0 =	sld [smem:$0x3F9C];
	_ =	swait.ge [sflag:s4], $0x0  }
0x19: {  	s7 =	sld [smem:$0x3F9D]  }
0x1a: {  	s8 =	sadd.s32 $0xFFFFE003, lr  }
0x1b: {  	s9 =	sadd.s32 $0xFFFFFEF7, lr;
	s5 =	simm.s32 $0xFFFFFFFF;
	p2 =	slt.u32 s8, $0xFFFFF086  }
0x1c: {  	p1 =	slt.u32 s9, $0xF7A;
	s5 =	simm.s32 @!p2 $0x0  }
0x1d: {  	s5 =	simm.s32 @p1 $0x1;
	p0 =	seq.s32 s7, s2  }
0x1e: {  	s7 =	smul.u32 @!p0 $0xF7A, s2;
	p2 =	seq.s32 @!p0 s5, $0x0  }
0x1f: {  	s9 =	smul.u32 $0xF7A, s1;
	s8 =	simm.s32 @!p0 $0x1BF5;
	p2 =	por !p2, p0  }
0x20: {  	[sflag:s8] =	ssyncset.s32 @!p0 $0xFFFFF086;
	s6 =	sadd.s32 @!p0 s3, s7;
	s7 =	simm.s32 @!p0 $0x108  }
0x21: {  	s3 =	sadd.s32 s3, s9;
	s6 =	sadd.s32 @!p0 $0x88, s6;
	s7 =	simm.s32 @p2 $0x1082  }
0x22: {  	[simem:s7], [sflag:s8] =	dma.local @!p0 [hbm:s6], $0xF7A  }
0x23: {  	s9 =	sor.u32 $0xD0000000, s2;
	s6 =	simm.s32 $0x108;
	_ =	swait.ge @!p0 [sflag:s8], $0x0  }
0x24: {  	s3 =	sadd.s32 $0x88, s3;
	s6 =	simm.s32 @!p1 $0x1082;
	[sflag:s4] =	ssyncset.s32 $0xFFFFF086  }
0x25: {  	[simem:s6], [sflag:s4] =	dma.local [hbm:s3], $0xF7A  }
0x26: {  	[smem:$0x3F9D] =	sst s1;
	(tag) =	ssettag s2;
	_ =	strace s9  }
0x27: {  	s1 =	sld [smem:$0x3FAD]  }
0x28: {  	s2 =	sld [smem:$0x3FAE]  }
0x29: {  	s4 =	sld [smem:$0x3FB0]  }
0x2a: {  	p0 =	seq.s32 s5, $0x0;
	s5 =	sld [smem:$0x3FB1]  }
0x2b: {  	s6 =	sld [smem:$0x3FB2]  }
0x2c: {  	s7 =	sld [smem:$0x3FB3]  }
0x2d: {  	s3 =	simm.s32 $0x108;
	s8 =	sld [smem:$0x3FB4]  }
0x2e: {  	s3 =	simm.s32 @!p0 $0x1082;
	s9 =	sld [smem:$0x3FB5]  }
0x2f: {  	lr =	sadd.s32 s0, s3;
	s0 =	sld [smem:$0x3FAC]  }
0x30: {  	s3 =	sld [smem:$0x3FAF]  }
0x31: {  	[smem:$0x3FB8] =	sst s10  }
0x32: {  	s10 =	sld [smem:$0x3FB6];
	_ =	sdelay $0x3  }
0x33: {  	p0 =	seq.s32 s10, $0x1;
	s10 =	sld [smem:$0x3FB8];
	_ =	sdelay $0x3  }
0x34: {  	[smem:$0x3FB8] =	sst s10  }
0x35: {  	s10 =	sld [smem:$0x3FB7];
	_ =	sdelay $0x3  }
0x36: {  	p1 =	seq.s32 s10, $0x1;
	s10 =	sld [smem:$0x3FB8];
	_ =	sdelay $0x3  }
0x37: {  	[smem:$0x3FB8] =	sst s10  }
0x38: {  	s10 =	sld [smem:$0x3FB9]  }
0x39: {  	_ = 	snop;
	(pc) =	sbr.ind lr, $3  }
0x3a: {  	_ = 	snop  }
0x3b: {  	_ = 	snop  }
0x3c: {  	p2 =	seq.s32 s10, $0x1;
	s10 =	sld [smem:$0x3FB8]  }
0x3d: {  	_ =	shalt  }
0x3e: {  	_ =	shalt  }
0x3f: {  	_ =	shalt  }
0x40: {  	_ =	shalt  }
0x41: {  	_ =	shalt  }
0x42: {  	_ =	shalt  }
0x43: {  	_ =	shalt  }
0x44: {  	_ =	shalt  }
0x45: {  	_ =	shalt  }
0x46: {  	_ =	shalt  }
0x47: {  	_ =	shalt  }
0x48: {  	_ =	shalt  }
0x49: {  	_ =	shalt  }
0x4a: {  	_ =	shalt  }
0x4b: {  	_ =	shalt  }
0x4c: {  	_ =	shalt  }
0x4d: {  	_ =	shalt  }
0x4e: {  	_ =	shalt  }
0x4f: {  	_ =	shalt  }
0x50: {  	_ =	shalt  }
0x51: {  	_ =	shalt  }
0x52: {  	_ =	shalt  }
0x53: {  	_ =	shalt  }
0x54: {  	_ =	shalt  }
0x55: {  	_ =	shalt  }
0x56: {  	_ =	shalt  }
0x57: {  	_ =	shalt  }
0x58: {  	_ =	shalt  }
0x59: {  	_ =	shalt  }
0x5a: {  	_ =	shalt  }
0x5b: {  	_ =	shalt  }
0x5c: {  	_ =	shalt  }
0x5d: {  	_ =	shalt  }
0x5e: {  	_ =	shalt  }
0x5f: {  	_ =	shalt  }
0x60: {  	_ =	shalt  }
0x61: {  	_ =	shalt  }
0x62: {  	_ =	shalt  }
0x63: {  	_ =	shalt  }
0x64: {  	_ =	shalt  }
0x65: {  	_ =	shalt  }
0x66: {  	_ =	shalt  }
0x67: {  	_ =	shalt  }
0x68: {  	_ =	shalt  }
0x69: {  	_ =	shalt  }
0x6a: {  	_ =	shalt  }
0x6b: {  	_ =	shalt  }
0x6c: {  	_ =	shalt  }
0x6d: {  	_ =	shalt  }
0x6e: {  	_ =	shalt  }
0x6f: {  	_ =	shalt  }
0x70: {  	_ =	shalt  }
0x71: {  	_ =	shalt  }
0x72: {  	_ =	shalt  }
0x73: {  	_ =	shalt  }
0x74: {  	_ =	shalt  }
0x75: {  	_ =	shalt  }
0x76: {  	_ =	shalt  }
0x77: {  	_ =	shalt  }
0x78: {  	_ =	shalt  }
0x79: {  	_ =	shalt  }
0x7a: {  	_ =	shalt  }
0x7b: {  	_ =	shalt  }
0x7c: {  	_ =	shalt  }
0x7d: {  	_ =	shalt  }
0x7e: {  	_ =	shalt  }
0x7f: {  	_ =	shalt  }
0x80: {  	_ =	shalt  }
0x81: {  	_ =	shalt  }
0x82: {  	_ =	shalt  }
0x83: {  	_ =	shalt  }
0x84: {  	_ =	shalt  }
0x85: {  	_ =	shalt  }
0x86: {  	_ =	shalt  }
0x87: {  	_ =	shalt  }
.Lfunc_end0:
.L_simem_size_0:
called_computation_lowered:
.L_overlay_start_0:
0x88: {  	s2 =	sld [smem:$0x3FD9]  }
0x89: {  	s3 =	sld [smem:$0x3FFE];
	_ =	sdelay $0x1  }
0x8a: {  	s1 =	srdreg.scid  }
0x8b: {  	s0 =	sand.u32 $0x1, s1  }
0x8c: {  	s17 =	sshll.u32 s0, $0xA;
	s2 =	sadd.s32 s3, s2  }
0x8d: {  	s2 =	sadd.s32 s2, s17  }
0x8e: {  	[smem:$0x3FC4] =	sst s2  }
0x8f: {  	_ = 	snop  }
0x90: {  	s2 =	sld [smem:$0x3FC9];
	(tm) =	ssettm $0x1  }
0x91: {  	s18 =	sld [smem:$0x3FFB];
	_ =	sdelay $0x3  }
0x92: {  	_ =	strace s18  }
0x93: {  	s3 =	sld [smem:$0x3FFC];
	_ =	sdelay $0x3  }
0x94: {  	_ =	strace s3  }
0x95: {  	s3 =	sld [smem:$0x3FFD];
	_ =	sdelay $0x3  }
0x96: {  	_ =	strace s3  }
0x97: {  	_ =	strace $0x8FFFFFFF  }
0x98: {  	s19 =	sld [smem:$0x3FDB];
	_ =	sdelay $0x1  }
0x99: {  	s4 =	simm.s32 $_scs_section_size  }
0x9a: {  	s5 =	simm.s32 $_size__tile_overlayer_lowered;
	s6 =	simm.s32 $_tile_overlayer_lowered  }
0x9b: {  	s22 =	simm.s32 $0x1BFF;
	s21 =	sshll.u32 s6, $0x1;
	s3 =	sadd.s32 s4, s19  }
0x9c: {  	s7 =	simm.s32 $0x0;
	s20 =	sshll.u32 s5, $0x1;
	s5 =	sadd.s32 s21, s3  }
0x9d: {  	[timem:s7], [sflag:s22] =	dma.local [hbm:s5], s20  }
0x9e: {  	_ =	swait.ge [sflag:s22], s20  }
0x9f: {  	s4 =	ssub.s32 $0x0, s20;
	[sflag:s22] =	ssyncset.done $0x0  }
0xa0: {  	[sflag:s22] =	ssyncadd.s32 s4;
	_ =	sdelay $0x1  }
0xa1: {  	s23 =	simm.s32 $0x1B8B  }
0xa2: {  	_ =	swait.ge [sflag:s23], $0x1  }
0xa3: {  	[sflag:s23] =	ssyncset.done $0x0  }
0xa4: {  	s25 =	simm.s32 $0x1B8E;
	s24 =	sld [smem:$0x3FFE];
	[sflag:s23] =	ssyncadd.s32 $0xFFFFFFFF  }
0xa5: {  	s26 =	simm.s32 $execute0_lowered;
	[smem:$0x3FD2] =	sst s25  }
0xa6: {  	s5 =	sshll.u32 s26, $0x1;
	_ =	strace $0x80000046;
	[dreg:$0x1] =	wrdreg $0xFFFFFFFF  }
0xa7: {  	s28 =	simm.s32 $_size_execute0_lowered;
	s3 =	sadd.s32 s3, s5;
	[dreg:$0x0] =	wrdreg $0x0  }
0xa8: {  	s5 =	sshll.u32 s28, $0x1;
	[dreg:$0x2] =	wrdreg s3  }
0xa9: {  	[dreg:$0x3] =	wrdreg s5  }
0xaa: {  	[dreg:$0x4] =	wrdreg $0xC0  }
0xab: {  	_ =	task [dreg:s7], $0x5FFFF  }
0xac: {  	[dreg:$0x1] =	wrdreg $0xFFFFFFFF  }
0xad: {  	[dreg:$0x0] =	wrdreg $0x60  }
0xae: {  	[dreg:$0x2] =	wrdreg s24  }
0xaf: {  	[dreg:$0x3] =	wrdreg s2  }
0xb0: {  	[dreg:$0x4] =	wrdreg $0x82500  }
0xb1: {  	[dreg:$0x5] =	wrdreg $0x1C2500  }
0xb2: {  	[dreg:$0x6] =	wrdreg $0x9  }
0xb3: {  	_ =	task.clear_ibuf [dreg:s7], $0x7FFFF;
	_ =	strace $0x90000046  }
0xb4: {  	s29 =	simm.s32 $0x9;
	_ =	strace $0x80000048  }
0xb5: {  	_ =	swait.ge [sflag:s29], $0x1  }
0xb6: {  	[sflag:s29] =	ssyncadd.s32 $0xFFFFFFFF  }
0xb7: {  	_ =	strace $0x90000048  }
0xb8: {  	_ =	sfence  }
0xb9: {  	s30 =	sld [smem:$0x0];
	_ =	sdelay $0x2  }
0xba: {  	s31 =	sshll.u32 s1, $0xD;
	s1 =	sshrl.u32 s1, $0x2  }
0xbb: {  	s3 =	sand.u32 $0x4000, s31;
	s1 =	sadd.s32 s1, s30  }
0xbc: {  	s0 =	sor.u32 s3, s0;
	s1 =	sshll.u32 s1, $0x11  }
0xbd: {  	s0 =	sor.u32 s1, s0  }
0xbe: {  	s0 =	sadd.s32 $0x8F2B, s0  }
0xbf: {  	[sflag:s0] =	ssyncadd.remote.s32 $0x1  }
0xc0: {  	_ =	sfence.sel $0xFFFF  }
0xc1: {  	[dreg:$0x0] =	wrdreg $0xFFFFFFFF;
	(pc) =	sbr.abs _section_cstart, $3  }
0xc2: {  	[dreg:$0x1] =	wrdreg $0xFFFFFFFF  }
0xc3: {  	_ =	task.clear_ibuf [dreg:s7], $0x2FFFF;
	_ =	strace $0x9FFFFFFF  }
0xc4: {  	(tm) =	ssettm $0x7FFFFFFF  }
0xc5: {  	_ =	shalt  }
tec
execute0_lowered:
.L_overlay_start_1:
0x0: {  	(tag) =	ssettag $0x1  }
0x1: {  	s0 =	rddreg [dreg:$0x0]  }
0x2: {  	s1 =	rddreg [dreg:$0x1]  }
0x3: {  	s2 =	srdreg.scid;
	s3 =	rddreg [dreg:$0x2]  }
0x4: {  	s16 =	stileid.u32;
	s4 =	rddreg [dreg:$0x3]  }
0x5: {  	s6 =	simm.s32 $0x0;
	s28 =	simm.s32 $0x7D50;
	s29 =	simm.s32 $0x1  }
0x6: {  	s30 =	simm.s32 $0x2;
	s31 =	simm.s32 $0x50;
	s2 =	sand.u32 $0x1, s2  }
0x7: {  	[smem:$0x7FF] =	sst s6;
	s6 =	sadd.s32 $0x15C00, s0;
	s9 =	smul.u32 $0x280, s16  }
0x8: {  	s8 =	sadd.s32 $0x3DC00, s0;
	s10 =	sadd.s32 $0xBC00, s0;
	s12 =	smul.u32 $0x14000, s16  }
0x9: {  	s26 =	smul.u32 $0x2800, s16;
	s5 =	sshll.u32 s2, $0x4;
	_ =	strace $0x80000047  }
0xa: {  	s7 =	ssub.s32 $0x2, s2;
	p0 =	seq.s32 s2, $0x1;
	s5 =	sor.u32 s16, s5  }
0xb: {  	s11 =	sshrl.u32 s7, $0x1;
	s13 =	sor.u32 $0x50, s9;
	s20 =	sadd.s32 $0xA0, s9  }
0xc: {  	s21 =	sadd.s32 $0x140, s9;
	s22 =	sadd.s32 $0x190, s9;
	s2 =	sadd.s32 $0x1E0, s9  }
0xd: {  	s6 =	smov.u32 @p0 s8;
	s16 =	sshrl.u32 s26, $0x3;
	s8 =	simm.s32 $0x3  }
0xe: {  	s5 =	smul.u32 $0x4E2, s5;
	s11 =	ssub.s32 s7, s11;
	s19 =	sshll.u32 s13, $0x7  }
0xf: {  	s7 =	sadd.s32 s12, s3;
	s14 =	sshll.u32 s20, $0x7;
	s15 =	sshll.u32 s21, $0x7  }
0x10: {  	s25 =	sshll.u32 s22, $0x7;
	s12 =	sshrl.u32 s12, $0x3;
	s18 =	sshll.u32 s13, $0x4  }
0x11: {  	s20 =	sshll.u32 s20, $0x4;
	s14 =	sadd.s32 s14, s3;
	s24 =	sadd.s32 s15, s3  }
0x12: {  	s6 =	sadd.s32 s6, s12;
	s15 =	sshll.u32 s2, $0x7;
	[dreg:$0x7] =	wrdreg s14  }
0x13: {  	s18 =	sadd.s32 s18, s4;
	s2 =	sshll.u32 s2, $0x4;
	[dreg:$0x9] =	wrdreg s24  }
0x14: {  	s5 =	sadd.s32 s5, s0;
	s0 =	sadd.s32 $0x10C00, s0;
	[dreg:$0xb] =	wrdreg s6  }
0x15: {  	s6 =	sadd.s32 s15, s3;
	s24 =	sshll.u32 s21, $0x4;
	s5 =	sadd.s32 $0x1E00, s5  }
0x16: {  	s10 =	smov.u32 @p0 s0;
	[dreg:$0xc] =	wrdreg s6;
	s21 =	sadd.s32 s24, s4  }
0x17: {  	s6 =	simm.s32 $0x27B0;
	[dreg:$0x5] =	wrdreg s5;
	s5 =	sadd.s32 s19, s3  }
0x18: {  	s19 =	sadd.s32 $0xF0, s9;
	s9 =	sadd.s32 $0x230, s9;
	s0 =	sadd.s32 s10, s16  }
0x19: {  	s10 =	simm.s32 $0x2800;
	[dreg:$0x6] =	wrdreg s5;
	s23 =	sshll.u32 s19, $0x7  }
0x1a: {  	[dreg:$0xd] =	wrdreg s0;
	s17 =	sshll.u32 s9, $0x7;
	s5 =	simm.s32 $0x2760  }
0x1b: {  	s0 =	simm.s32 $0x5050;
	s14 =	sadd.s32 s23, s3;
	s16 =	sadd.s32 s17, s3  }
0x1c: {  	s17 =	sadd.s32 s26, s4;
	s23 =	sshll.u32 s19, $0x4;
	s19 =	sadd.s32 s20, s4  }
.Ltmp0:
0x1d: {  	s26 =	sshll.u32 s9, $0x4;
	s9 =	simm.s32 $0x7850;
	(pc) =	sbr.rel .LBB2_1-.Ltmp0, $4  }
0x1e: {  	[dreg:$0x8] =	wrdreg s14;
	s14 =	sadd.s32 s25, s3;
	s20 =	sadd.s32 s23, s4  }
0x1f: {  	s25 =	sshll.u32 s22, $0x4;
	s23 =	sadd.s32 s2, s4;
	s24 =	sadd.s32 s26, s4  }
0x20: {  	s26 =	simm.s32 $0x2850;
	s2 =	simm.s32 $0x2710;
	[dreg:$0xa] =	wrdreg s14  }
0x21: {  	v0 =	vimm.f32 $1.000000000e+00;
	v1 =	vimm.f32 $0.0e+00;
	s22 =	sadd.s32 s25, s4;
	s25 =	smax.u32 s11, $0x1;
	s11 =	simm.s32 $0x0  }
.LBB2_8:
0x22: {  	_ =	swait.ge [sflag:s29], $0x2800  }
0x23: {  	[sflag:s29] =	ssyncset.done $0x0  }
0x24: {  	[sflag:s29] =	ssyncadd.s32 $0xFFFFD800  }
0x25: {  	[spmem:s3] =	stream.indirect.scatter.add.f32 [tilespmem:s26], [sflag:$0x3], $0x80, s6, s31, $0xb8;
	[tilespmem:$0x1EA50] =	vst v63  }
0x26: {  	_ =	swait.ge [sflag:s8], $0x2800  }
0x27: {  	[sflag:s8] =	ssyncset.done $0x0  }
0x28: {  	[sflag:s8] =	ssyncadd.s32 $0xFFFFD800  }
0x29: {  	[spmem:s4] =	stream.indirect.scatter.add.f32 [tilespmem:s9], [sflag:$0x3], $0x10, s6, s31, $0xb8;
	[tilespmem:$0x1EA50] =	vst v63  }
0x2a: {  	_ =	swait.ge [sflag:s8], $0x500  }
0x2b: {  	[sflag:s8] =	ssyncset.done $0x0  }
0x2c: {  	s12 =	stileid.u32;
	[sflag:s8] =	ssyncadd.s32 $0xFFFFFB00  }
0x2d: {  	s14 =	sshrl.u32 s7, $0x3;
	s12 =	sshll.u32 s12, $0x6;
	[bflag:$0x0] =	sbarrier.arrive $0xFFFF  }
0x2e: {  	s11 =	sadd.s32 $0x1, s11;
	s13 =	sor.u32 $0x1C01, s12;
	s15 =	rddreg [dreg:$0xb]  }
0x2f: {  	[hbm:s15], [sflag:s13] =	dma.local [spmem:s14], $0x2800  }
0x30: {  	s12 =	sor.u32 $0x1C02, s12;
	s15 =	sshrl.u32 s17, $0x3;
	s14 =	rddreg [dreg:$0xd]  }
0x31: {  	[hbm:s14], [sflag:s12] =	dma.local [spmem:s15], $0x500  }
0x32: {  	p0 =	sne.s32 s11, s25;
	_ =	swait.ge [sflag:s29], $0x2800  }
.Ltmp1:
0x33: {  	[sflag:s29] =	ssyncset.done $0x0;
	(pc) =	sbr.rel @!p0 .LBB2_9-.Ltmp1, $4  }
0x34: {  	[sflag:s29] =	ssyncadd.s32 $0xFFFFD800  }
0x35: {  	_ =	swait.ge [sflag:s30], $0x500  }
0x36: {  	[sflag:s30] =	ssyncset.done $0x0  }
0x37: {  	[sflag:s30] =	ssyncadd.s32 $0xFFFFFB00  }
.LBB2_1:
0x38: {  	s12 =	simm.s32 $0x0;
	s13 =	rddreg [dreg:$0x5]  }
0x39: {  	[tilespmem:s12], [sflag:$0x1] =	stream.linear.gather [hbm4b:s13+s12], $0x2710, $0x38;
	[tilespmem:$0x1EA50] =	vst v63  }
0x3a: {  	s12 =	simm.s32 $0x0  }
.LBB2_2:
0x3b: {  	p0 =	sne.s32 s12, $0x13C0  }
.Ltmp2:
0x3c: {  	_ = 	snop;
	(pc) =	sbr.rel @p0 .LBB2_2-.Ltmp2, $4  }
0x3d: {  	_ = 	snop  }
0x3e: {  	s13 =	sshra.s32 s12, $0x2  }
0x3f: {  	[tilespmem:s13+$0x7850] =	vst v0  }
0x40: {  	s12 =	sadd.s32 $0x40, s12;
	[tilespmem:s13+$0x7D50] =	vst v1  }
0x41: {  	s12 =	simm.s32 $0x0;
	s13 =	simm.s32 $0x200  }
.LBB2_4:
0x42: {  	p0 =	sne.s32 s13, $0x9E00;
	[tilespmem:s12+$0x28C0] =	vst v1  }
0x43: {  	[tilespmem:s12+$0x2850] =	vst v1  }
0x44: {  	[tilespmem:s12+$0x2860] =	vst v1  }
.Ltmp3:
0x45: {  	[tilespmem:s12+$0x2870] =	vst v1;
	(pc) =	sbr.rel @p0 .LBB2_4-.Ltmp3, $4  }
0x46: {  	[tilespmem:s12+$0x2880] =	vst v1  }
0x47: {  	[tilespmem:s12+$0x2890] =	vst v1  }
0x48: {  	[tilespmem:s12+$0x28A0] =	vst v1  }
0x49: {  	[tilespmem:s12+$0x28B0] =	vst v1;
	s12 =	sshra.s32 s13, $0x2;
	s13 =	sadd.s32 $0x200, s13  }
0x4a: {  	[tilespmem:s12+$0x28C0] =	vst v1  }
0x4b: {  	[tilespmem:s12+$0x2850] =	vst v1  }
0x4c: {  	[tilespmem:s12+$0x2860] =	vst v1  }
0x4d: {  	[tilespmem:s12+$0x2870] =	vst v1  }
0x4e: {  	[tilespmem:s12+$0x2880] =	vst v1  }
0x4f: {  	[tilespmem:s12+$0x2890] =	vst v1  }
0x50: {  	[tilespmem:s12+$0x28A0] =	vst v1  }
0x51: {  	[tilespmem:s12+$0x28B0] =	vst v1  }
0x52: {  	[spmem:s7] =	stream.linear.scatter [tilespmem:s26], [sflag:$0x2], $0x2800, $0x38;
	[tilespmem:$0x1EA50] =	vst v63  }
0x53: {  	s13 =	rddreg [dreg:$0x6]  }
0x54: {  	[spmem:s13] =	stream.linear.scatter [tilespmem:s26], [sflag:$0x2], $0x2800, $0x38;
	[tilespmem:$0x1EA50] =	vst v63  }
0x55: {  	s14 =	rddreg [dreg:$0x7]  }
0x56: {  	[spmem:s14] =	stream.linear.scatter [tilespmem:s26], [sflag:$0x2], $0x2800, $0x38;
	[tilespmem:$0x1EA50] =	vst v63  }
0x57: {  	s15 =	rddreg [dreg:$0x8]  }
0x58: {  	[spmem:s15] =	stream.linear.scatter [tilespmem:s26], [sflag:$0x2], $0x2800, $0x38;
	[tilespmem:$0x1EA50] =	vst v63  }
0x59: {  	s13 =	rddreg [dreg:$0x9]  }
0x5a: {  	[spmem:s13] =	stream.linear.scatter [tilespmem:s26], [sflag:$0x2], $0x2800, $0x38;
	[tilespmem:$0x1EA50] =	vst v63  }
0x5b: {  	s14 =	rddreg [dreg:$0xa]  }
0x5c: {  	[spmem:s14] =	stream.linear.scatter [tilespmem:s26], [sflag:$0x2], $0x2800, $0x38;
	[tilespmem:$0x1EA50] =	vst v63  }
0x5d: {  	s15 =	rddreg [dreg:$0xc]  }
0x5e: {  	[spmem:s15] =	stream.linear.scatter [tilespmem:s26], [sflag:$0x2], $0x2800, $0x38;
	[tilespmem:$0x1EA50] =	vst v63  }
0x5f: {  	_ = 	snop  }
0x60: {  	[spmem:s16] =	stream.linear.scatter [tilespmem:s26], [sflag:$0x2], $0x2800, $0x38;
	[tilespmem:$0x1EA50] =	vst v63  }
0x61: {  	_ = 	snop  }
0x62: {  	[spmem:s17] =	stream.linear.scatter [tilespmem:s28], [sflag:$0x2], $0x500, $0x38;
	[tilespmem:$0x1EA50] =	vst v63  }
0x63: {  	_ = 	snop  }
0x64: {  	[spmem:s18] =	stream.linear.scatter [tilespmem:s28], [sflag:$0x2], $0x500, $0x38;
	[tilespmem:$0x1EA50] =	vst v63  }
0x65: {  	_ = 	snop  }
0x66: {  	[spmem:s19] =	stream.linear.scatter [tilespmem:s28], [sflag:$0x2], $0x500, $0x38;
	[tilespmem:$0x1EA50] =	vst v63  }
0x67: {  	_ = 	snop  }
0x68: {  	[spmem:s20] =	stream.linear.scatter [tilespmem:s28], [sflag:$0x2], $0x500, $0x38;
	[tilespmem:$0x1EA50] =	vst v63  }
0x69: {  	_ = 	snop  }
0x6a: {  	[spmem:s21] =	stream.linear.scatter [tilespmem:s28], [sflag:$0x2], $0x500, $0x38;
	[tilespmem:$0x1EA50] =	vst v63  }
0x6b: {  	_ = 	snop  }
0x6c: {  	[spmem:s22] =	stream.linear.scatter [tilespmem:s28], [sflag:$0x2], $0x500, $0x38;
	[tilespmem:$0x1EA50] =	vst v63  }
0x6d: {  	_ = 	snop  }
0x6e: {  	[spmem:s23] =	stream.linear.scatter [tilespmem:s28], [sflag:$0x2], $0x500, $0x38;
	[tilespmem:$0x1EA50] =	vst v63  }
0x6f: {  	_ = 	snop  }
0x70: {  	[spmem:s24] =	stream.linear.scatter [tilespmem:s28], [sflag:$0x2], $0x500, $0x38;
	[tilespmem:$0x1EA50] =	vst v63  }
0x71: {  	_ =	swait.ge [sflag:s29], $0x2710  }
0x72: {  	[sflag:s29] =	ssyncset.done $0x0  }
0x73: {  	[sflag:s29] =	ssyncadd.s32 $0xFFFFD8F0  }
0x74: {  	_ =	swait.ge [sflag:s30], $0x2800  }
0x75: {  	[sflag:s30] =	ssyncset.done $0x0  }
0x76: {  	[sflag:s30] =	ssyncadd.s32 $0xFFFFD800  }
0x77: {  	_ =	swait.ge [sflag:s30], $0x2800  }
0x78: {  	[sflag:s30] =	ssyncset.done $0x0  }
0x79: {  	[sflag:s30] =	ssyncadd.s32 $0xFFFFD800  }
0x7a: {  	_ =	swait.ge [sflag:s30], $0x2800  }
0x7b: {  	[sflag:s30] =	ssyncset.done $0x0  }
0x7c: {  	[sflag:s30] =	ssyncadd.s32 $0xFFFFD800  }
0x7d: {  	_ =	swait.ge [sflag:s30], $0x2800  }
0x7e: {  	[sflag:s30] =	ssyncset.done $0x0  }
0x7f: {  	[sflag:s30] =	ssyncadd.s32 $0xFFFFD800  }
0x80: {  	_ =	swait.ge [sflag:s30], $0x2800  }
0x81: {  	[sflag:s30] =	ssyncset.done $0x0  }
0x82: {  	[sflag:s30] =	ssyncadd.s32 $0xFFFFD800  }
0x83: {  	_ =	swait.ge [sflag:s30], $0x2800  }
0x84: {  	[sflag:s30] =	ssyncset.done $0x0  }
0x85: {  	[sflag:s30] =	ssyncadd.s32 $0xFFFFD800  }
0x86: {  	_ =	swait.ge [sflag:s30], $0x2800  }
0x87: {  	[sflag:s30] =	ssyncset.done $0x0  }
0x88: {  	[sflag:s30] =	ssyncadd.s32 $0xFFFFD800  }
0x89: {  	_ =	swait.ge [sflag:s30], $0x2800  }
0x8a: {  	[sflag:s30] =	ssyncset.done $0x0  }
0x8b: {  	[sflag:s30] =	ssyncadd.s32 $0xFFFFD800  }
0x8c: {  	_ =	swait.ge [sflag:s30], $0x500  }
0x8d: {  	[sflag:s30] =	ssyncset.done $0x0  }
0x8e: {  	[sflag:s30] =	ssyncadd.s32 $0xFFFFFB00  }
0x8f: {  	_ =	swait.ge [sflag:s30], $0x500  }
0x90: {  	[sflag:s30] =	ssyncset.done $0x0  }
0x91: {  	[sflag:s30] =	ssyncadd.s32 $0xFFFFFB00  }
0x92: {  	_ =	swait.ge [sflag:s30], $0x500  }
0x93: {  	[sflag:s30] =	ssyncset.done $0x0  }
0x94: {  	[sflag:s30] =	ssyncadd.s32 $0xFFFFFB00  }
0x95: {  	_ =	swait.ge [sflag:s30], $0x500  }
0x96: {  	[sflag:s30] =	ssyncset.done $0x0  }
0x97: {  	[sflag:s30] =	ssyncadd.s32 $0xFFFFFB00  }
0x98: {  	_ =	swait.ge [sflag:s30], $0x500  }
0x99: {  	[sflag:s30] =	ssyncset.done $0x0  }
0x9a: {  	[sflag:s30] =	ssyncadd.s32 $0xFFFFFB00  }
0x9b: {  	_ =	swait.ge [sflag:s30], $0x500  }
0x9c: {  	[sflag:s30] =	ssyncset.done $0x0  }
0x9d: {  	[sflag:s30] =	ssyncadd.s32 $0xFFFFFB00  }
0x9e: {  	_ =	swait.ge [sflag:s30], $0x500  }
0x9f: {  	[sflag:s30] =	ssyncset.done $0x0  }
0xa0: {  	[sflag:s30] =	ssyncadd.s32 $0xFFFFFB00  }
0xa1: {  	_ =	swait.ge [sflag:s30], $0x500  }
0xa2: {  	[sflag:s30] =	ssyncset.done $0x0  }
0xa3: {  	[sflag:s30] =	ssyncadd.s32 $0xFFFFFB00  }
0xa4: {  	v2 =	vld [tilespmem:$0x0];
	_ =	sdelay $0x1  }
0xa5: {  	v3 =	vld [tilespmem:$0x10];
	_ =	sdelay $0x1  }
0xa6: {  	v4 =	vld [tilespmem:$0x20]  }
0xa7: {  	v5 =	vand.u32 $0xFFFF, v2  }
0xa8: {  	v59 =	vld [tilespmem:$0x30];
	v2 =	vshrl.u32 v2, $0x10;
	[tilespmem:$0x2710] =	vst v5  }
0xa9: {  	[tilespmem:$0x27B0] =	vst v2;
	v2 =	vand.u32 $0xFFFF, v3  }
0xaa: {  	[tilespmem:$0x2720] =	vst v2;
	v2 =	vshrl.u32 v3, $0x10;
	v3 =	vld [tilespmem:$0x40]  }
0xab: {  	[tilespmem:$0x27C0] =	vst v2;
	v2 =	vand.u32 $0xFFFF, v4  }
0xac: {  	v60 =	vld [tilespmem:$0x50];
	[tilespmem:$0x2730] =	vst v2;
	v2 =	vshrl.u32 v4, $0x10  }
0xad: {  	[tilespmem:$0x27D0] =	vst v2;
	v2 =	vand.u32 $0xFFFF, v59  }
0xae: {  	v61 =	vld [tilespmem:$0x60];
	[tilespmem:$0x2740] =	vst v2;
	v2 =	vshrl.u32 v59, $0x10  }
0xaf: {  	[tilespmem:$0x27E0] =	vst v2;
	v2 =	vand.u32 $0xFFFF, v3  }
0xb0: {  	[tilespmem:$0x2750] =	vst v2;
	v2 =	vshrl.u32 v3, $0x10;
	v3 =	vld [tilespmem:$0x70]  }
0xb1: {  	[tilespmem:$0x27F0] =	vst v2;
	v2 =	vand.u32 $0xFFFF, v60  }
0xb2: {  	v62 =	vld [tilespmem:$0x80];
	[tilespmem:$0x2760] =	vst v2;
	v2 =	vshrl.u32 v60, $0x10  }
0xb3: {  	[tilespmem:$0x2800] =	vst v2;
	v2 =	vand.u32 $0xFFFF, v61  }
0xb4: {  	v63 =	vld [tilespmem:$0x90];
	[tilespmem:$0x2770] =	vst v2;
	v2 =	vshrl.u32 v61, $0x10  }
0xb5: {  	[tilespmem:$0x2810] =	vst v2;
	v2 =	vand.u32 $0xFFFF, v3  }
0xb6: {  	[tilespmem:$0x2780] =	vst v2;
	v2 =	vshrl.u32 v3, $0x10  }
0xb7: {  	[tilespmem:$0x2820] =	vst v2;
	v2 =	vand.u32 $0xFFFF, v62  }
0xb8: {  	[tilespmem:$0x2790] =	vst v2;
	v2 =	vshrl.u32 v62, $0x10  }
0xb9: {  	[tilespmem:$0x2830] =	vst v2;
	v2 =	vand.u32 $0xFFFF, v63  }
0xba: {  	[tilespmem:$0x27A0] =	vst v2;
	v2 =	vshrl.u32 v63, $0x10  }
0xbb: {  	[tilespmem:$0x2840] =	vst v2  }
0xbc: {  	[tilespmem:s26], [sflag:$0x1] =	stream.indirect.gather [hbm4b:s1+s31], $0x80, s2, s31, $0xb8;
	[tilespmem:$0x1EA50] =	vst v63  }
0xbd: {  	_ = 	snop  }
0xbe: {  	[tilespmem:s0], [sflag:$0x2] =	stream.indirect.gather [hbm4b:s1+s31], $0x80, s5, s31, $0xb8;
	[tilespmem:$0x1EA50] =	vst v63  }
0xbf: {  	s12 =	simm.s32 $0x4C0;
	[bflag:$0x0] =	sbarrier.arrive $0xFFFF  }
.LBB2_6:
0xc0: {  	_ =	swait.ge [sflag:s29], $0x2800  }
0xc1: {  	[sflag:s29] =	ssyncset.done $0x0  }
0xc2: {  	[sflag:s29] =	ssyncadd.s32 $0xFFFFD800  }
0xc3: {  	[spmem:s3] =	stream.indirect.scatter.add.f32 [tilespmem:s26], [sflag:$0x3], $0x80, s6, s31, $0xb8;
	[tilespmem:$0x1EA50] =	vst v63  }
0xc4: {  	_ =	swait.ge [sflag:s8], $0x2800  }
0xc5: {  	[sflag:s8] =	ssyncset.done $0x0  }
0xc6: {  	[sflag:s8] =	ssyncadd.s32 $0xFFFFD800  }
0xc7: {  	[spmem:s4] =	stream.indirect.scatter.add.f32 [tilespmem:s9], [sflag:$0x3], $0x10, s6, s31, $0xb8;
	[tilespmem:$0x1EA50] =	vst v63  }
0xc8: {  	_ =	swait.ge [sflag:s8], $0x500  }
0xc9: {  	[sflag:s8] =	ssyncset.done $0x0  }
0xca: {  	s13 =	sshra.s32 s12, $0x2;
	[sflag:s8] =	ssyncadd.s32 $0xFFFFFB00  }
0xcb: {  	v2 =	vld [tilespmem:s13+$0xFFFFFF70];
	_ =	sdelay $0x4  }
0xcc: {  	v3 =	vand.u32 $0xFFFF, v2  }
0xcd: {  	v2 =	vshrl.u32 v2, $0x10;
	[tilespmem:$0x2710] =	vst v3  }
0xce: {  	[tilespmem:$0x27B0] =	vst v2  }
0xcf: {  	v2 =	vld [tilespmem:s13+$0xFFFFFF80];
	_ =	sdelay $0x4  }
0xd0: {  	v3 =	vand.u32 $0xFFFF, v2  }
0xd1: {  	v2 =	vshrl.u32 v2, $0x10;
	[tilespmem:$0x2720] =	vst v3  }
0xd2: {  	[tilespmem:$0x27C0] =	vst v2  }
0xd3: {  	v2 =	vld [tilespmem:s13+$0xFFFFFF90];
	_ =	sdelay $0x4  }
0xd4: {  	v3 =	vand.u32 $0xFFFF, v2  }
0xd5: {  	v2 =	vshrl.u32 v2, $0x10;
	[tilespmem:$0x2730] =	vst v3  }
0xd6: {  	[tilespmem:$0x27D0] =	vst v2  }
0xd7: {  	v2 =	vld [tilespmem:s13+$0xFFFFFFA0];
	_ =	sdelay $0x4  }
0xd8: {  	v3 =	vand.u32 $0xFFFF, v2  }
0xd9: {  	v2 =	vshrl.u32 v2, $0x10;
	[tilespmem:$0x2740] =	vst v3  }
0xda: {  	[tilespmem:$0x27E0] =	vst v2  }
0xdb: {  	v2 =	vld [tilespmem:s13+$0xFFFFFFB0];
	_ =	sdelay $0x4  }
0xdc: {  	v3 =	vand.u32 $0xFFFF, v2  }
0xdd: {  	v2 =	vshrl.u32 v2, $0x10;
	[tilespmem:$0x2750] =	vst v3  }
0xde: {  	[tilespmem:$0x27F0] =	vst v2  }
0xdf: {  	[tilespmem:s26], [sflag:$0x1] =	stream.indirect.gather [hbm4b:s1+s31], $0x80, s2, s31, $0xb8;
	[tilespmem:$0x1EA50] =	vst v63  }
0xe0: {  	_ =	swait.ge [sflag:s30], $0x2800  }
0xe1: {  	[sflag:s30] =	ssyncset.done $0x0  }
0xe2: {  	[sflag:s30] =	ssyncadd.s32 $0xFFFFD800  }
0xe3: {  	[spmem:s3] =	stream.indirect.scatter.add.f32 [tilespmem:s0], [sflag:$0x3], $0x80, s10, s31, $0xb8;
	[tilespmem:$0x1EA50] =	vst v63  }
0xe4: {  	_ =	swait.ge [sflag:s8], $0x2800  }
0xe5: {  	p0 =	seq.s32 s12, $0x9D40;
	[sflag:s8] =	ssyncset.done $0x0  }
.Ltmp4:
0xe6: {  	[sflag:s8] =	ssyncadd.s32 $0xFFFFD800;
	(pc) =	sbr.rel @p0 .LBB2_8-.Ltmp4, $4  }
0xe7: {  	[spmem:s4] =	stream.indirect.scatter.add.f32 [tilespmem:s9], [sflag:$0x3], $0x10, s10, s31, $0xb8;
	[tilespmem:$0x1EA50] =	vst v63  }
0xe8: {  	_ =	swait.ge [sflag:s8], $0x500  }
0xe9: {  	[sflag:s8] =	ssyncset.done $0x0  }
0xea: {  	[sflag:s8] =	ssyncadd.s32 $0xFFFFFB00  }
0xeb: {  	v2 =	vld [tilespmem:s13+$0xFFFFFFC0];
	_ =	sdelay $0x4  }
0xec: {  	v3 =	vand.u32 $0xFFFF, v2  }
0xed: {  	v2 =	vshrl.u32 v2, $0x10;
	[tilespmem:$0x2760] =	vst v3  }
0xee: {  	[tilespmem:$0x2800] =	vst v2  }
0xef: {  	v2 =	vld [tilespmem:s13+$0xFFFFFFD0];
	_ =	sdelay $0x4  }
0xf0: {  	v3 =	vand.u32 $0xFFFF, v2  }
0xf1: {  	v2 =	vshrl.u32 v2, $0x10;
	[tilespmem:$0x2770] =	vst v3  }
0xf2: {  	[tilespmem:$0x2810] =	vst v2  }
0xf3: {  	v2 =	vld [tilespmem:s13+$0xFFFFFFE0];
	_ =	sdelay $0x4  }
0xf4: {  	v3 =	vand.u32 $0xFFFF, v2  }
0xf5: {  	v2 =	vshrl.u32 v2, $0x10;
	[tilespmem:$0x2780] =	vst v3  }
0xf6: {  	[tilespmem:$0x2820] =	vst v2  }
0xf7: {  	v2 =	vld [tilespmem:s13+$0xFFFFFFF0];
	_ =	sdelay $0x4  }
0xf8: {  	v3 =	vand.u32 $0xFFFF, v2  }
0xf9: {  	v2 =	vshrl.u32 v2, $0x10;
	[tilespmem:$0x2790] =	vst v3  }
0xfa: {  	[tilespmem:$0x2830] =	vst v2  }
0xfb: {  	v2 =	vld [tilespmem:s13+$0x0];
	_ =	sdelay $0x3  }
.Ltmp5:
0xfc: {  	_ = 	snop;
	(pc) =	sbr.rel .LBB2_6-.Ltmp5, $4  }
0xfd: {  	v3 =	vand.u32 $0xFFFF, v2  }
0xfe: {  	v2 =	vshrl.u32 v2, $0x10;
	[tilespmem:$0x27A0] =	vst v3  }
0xff: {  	s12 =	sadd.s32 $0x280, s12;
	[tilespmem:$0x2840] =	vst v2  }
0x100: {  	[tilespmem:s0], [sflag:$0x2] =	stream.indirect.gather [hbm4b:s1+s31], $0x80, s5, s31, $0xb8;
	[tilespmem:$0x1EA50] =	vst v63  }
.LBB2_9:
0x101: {  	_ =	sfence.sel $0x180000  }
0x102: {  	[bflag:$0x0] =	sbarrier.arrive $0xFFFF  }
0x103: {  	_ =	strace $0x90000047  }
0x104: {  	s0 =	stileid.u32;
	[bflag:$0x2] =	sbarrier.arrive $0xFFFF  }
0x105: {  	p0 =	sne.s32 s0, $0x0;
	s0 =	rddreg [dreg:$0x4]  }
0x106: {  	s0 =	sadd.s32 @!p0 $0x100000, s0  }
0x107: {  	[sflag:s0] =	ssyncadd.tile.s32 @!p0 $0x1;
	_ =	shalt  }
.Lfunc_end2:
_tile_overlayer_lowered:
.L_overlay_start_2:
0x108: {  	(tag) =	ssettag $0x2  }
0x109: {  	s0 =	rddreg [dreg:$0x0];
	s2 =	stileid.u32  }
0x10a: {  	s1 =	rddreg [dreg:$0x1];
	p0 =	sne.s32 s2, $0x0  }
0x10b: {  	s3 =	rddreg [dreg:$0x2];
	[bflag:$0x3] =	sbarrier.arrive $0xFFFF;
	s2 =	simm.s32 @!p0 $0x1C03  }
0x10c: {  	[timem:s3], [sflag:s2] =	dma.local @!p0 [hbm:s0], s1  }
0x10d: {  	s0 =	simm.s32 @!p0 $0x3  }
0x10e: {  	_ =	swait.ge @!p0 [sflag:s0], s1  }
0x10f: {  	s1 =	ssub.s32 @!p0 $0x0, s1;
	[sflag:s0] =	ssyncset.done @!p0 $0x0  }
0x110: {  	[sflag:s0] =	ssyncadd.s32 @!p0 s1  }
0x111: {  	[bflag:$0x3] =	sbarrier.arrive $0xFFFF  }
0x112: {  	_ =	shalt  }

</sc_bundles>
